<compile_context>
chip_gen: v7x
topology: tpu7x:2x2x1
jax: 0.10.2.dev20260603
libtpu: 0.0.44.dev20260713+nightly
codegen_flags: <defaults>
</compile_context>

<pallas_src>
import jax
import jax.numpy as jnp
from jax import lax
from jax.experimental import pallas as pl
from jax.experimental.pallas import tpu as pltpu
from jax.experimental.pallas import tpu_sc as plsc

N_ROWS = 16384
N_FEAT = 2048
NC = 2
NS = 16
L = 16
NW = NC * NS
ROWS_PER_W = N_ROWS // NW
R = 4
CHUNKS = ROWS_PER_W // R
JV = N_FEAT // L
NBUF = 4


def _permute_body(x_hbm, idx_hbm, out_hbm, idx_v, *bufs):
    in_bufs = bufs[0:NBUF]
    out_bufs = bufs[NBUF:2 * NBUF]
    isems = bufs[2 * NBUF:3 * NBUF]
    osems = bufs[3 * NBUF:4 * NBUF]

    wid = lax.axis_index("s") * NC + lax.axis_index("c")
    rbase = wid * ROWS_PER_W

    pltpu.sync_copy(idx_hbm, idx_v)

    def x_slice(c):
        return x_hbm.at[pl.ds(rbase + c * R, R)]

    def o_slice(c):
        return out_hbm.at[pl.ds(rbase + c * R, R)]

    for p in range(NBUF - 1):
        pltpu.async_copy(x_slice(p), in_bufs[p], isems[p])

    def loop_body(c0, carry):
        for b in range(NBUF):
            c = c0 * NBUF + b

            @pl.when(c + NBUF - 1 < CHUNKS)
            def _start_next_in():
                nb = (b + NBUF - 1) % NBUF
                pltpu.async_copy(x_slice(c + NBUF - 1), in_bufs[nb], isems[nb])

            pltpu.make_async_copy(x_slice(c), in_bufs[b], isems[b]).wait()

            @pl.when(c >= NBUF)
            def _wait_prev_out():
                pltpu.make_async_copy(out_bufs[b], o_slice(c), osems[b]).wait()

            @plsc.parallel_loop(0, JV, 1, unroll=2)
            def _j_body(j):
                iv = idx_v[pl.ds(j * L, L)]
                jl = j * L
                vals = [plsc.load_gather(
                            in_bufs[b],
                            [jnp.full((L,), r, jnp.int32), iv])
                        for r in range(R)]
                for r in range(R):
                    out_bufs[b][r, pl.ds(jl, L)] = vals[r]

            pltpu.async_copy(out_bufs[b], o_slice(c), osems[b])
        return carry

    lax.fori_loop(0, CHUNKS // NBUF, loop_body, 0)

    for b in range(NBUF):
        pltpu.make_async_copy(out_bufs[b], o_slice(CHUNKS - NBUF + b),
                              osems[b]).wait()


_permute = pl.kernel(
    _permute_body,
    out_type=jax.ShapeDtypeStruct((N_ROWS, N_FEAT), jnp.float32),
    mesh=plsc.VectorSubcoreMesh(
        core_axis_name="c", subcore_axis_name="s", num_cores=NC, num_subcores=NS
    ),
    scratch_types=[
        pltpu.VMEM((N_FEAT,), jnp.int32),
        *[pltpu.VMEM((R, N_FEAT), jnp.float32) for _ in range(2 * NBUF)],
        *[pltpu.SemaphoreType.DMA for _ in range(2 * NBUF)],
    ],
    compiler_params=pltpu.CompilerParams(needs_layout_passes=False),
)


@jax.jit
def kernel(x, permutation):
    perm = permutation.astype(jnp.int32)
    return _permute(x, perm)

# --- scband reference (transcript-rebuilt; emitter-appended) ---
"""Pipeline reference for scband-permute-21921513079468 (READ-ONLY COPY).

The authoritative reference and input builder live on the scoring server;
editing this copy changes nothing except your own understanding.
"""

import jax, jax.numpy as jnp
import numpy as np

NUM_FEATURES = 2048
N_ROWS = 16384

def setup_inputs(seed: int = 0) -> dict:
    key = jax.random.key(seed)
    kx, kp = jax.random.split(key)
    x = jax.random.normal(kx, (N_ROWS, NUM_FEATURES), dtype=jnp.float32)
    # buffer created in __init__: a fixed random permutation of the feature axis
    permutation = jax.random.permutation(kp, NUM_FEATURES).astype(jnp.int64)
    return {"x": x, "permutation": permutation}

def reference(x, permutation):
    # forward with reverse=False: gather columns according to permutation
    return x[:, permutation]

if __name__ == "__main__":
    import jax
    _d = setup_inputs()
    print(jax.jit(kernel)(*tuple(_d.values())))

</pallas_src>

<mosaic_0001>
#map = affine_map<(d0, d1) -> (0, 0)>
#map1 = affine_map<(d0, d1) -> (0)>
module attributes {stable_mosaic.version = 14 : i64} {
  func.func @_permute_body(%arg0: i32, %arg1: i32, %arg2: memref<16384x2048xf32, #tpu.memory_space<hbm>>, %arg3: memref<2048xi32, #tpu.memory_space<hbm>>, %arg4: memref<16384x2048xf32, #tpu.memory_space<hbm>>, %arg5: memref<2048xi32, #tpu.memory_space<vmem>>, %arg6: memref<4x2048xf32, #tpu.memory_space<vmem>>, %arg7: memref<4x2048xf32, #tpu.memory_space<vmem>>, %arg8: memref<4x2048xf32, #tpu.memory_space<vmem>>, %arg9: memref<4x2048xf32, #tpu.memory_space<vmem>>, %arg10: memref<4x2048xf32, #tpu.memory_space<vmem>>, %arg11: memref<4x2048xf32, #tpu.memory_space<vmem>>, %arg12: memref<4x2048xf32, #tpu.memory_space<vmem>>, %arg13: memref<4x2048xf32, #tpu.memory_space<vmem>>, %arg14: memref<!tpu.dma_semaphore, #tpu.memory_space<semaphore_mem>>, %arg15: memref<!tpu.dma_semaphore, #tpu.memory_space<semaphore_mem>>, %arg16: memref<!tpu.dma_semaphore, #tpu.memory_space<semaphore_mem>>, %arg17: memref<!tpu.dma_semaphore, #tpu.memory_space<semaphore_mem>>, %arg18: memref<!tpu.dma_semaphore, #tpu.memory_space<semaphore_mem>>, %arg19: memref<!tpu.dma_semaphore, #tpu.memory_space<semaphore_mem>>, %arg20: memref<!tpu.dma_semaphore, #tpu.memory_space<semaphore_mem>>, %arg21: memref<!tpu.dma_semaphore, #tpu.memory_space<semaphore_mem>>) attributes {dimension_semantics = [#tpu.dimension_semantics<core_parallel>, #tpu.dimension_semantics<subcore_parallel>], iteration_bounds = array<i64: 2, 16>, scalar_prefetch = 0 : i64, scratch_operands = 17 : i64, tpu.core_type = #tpu.core_type<sc_vector_subcore>, window_params = [{transform_indices = #map}, {transform_indices = #map1}, {transform_indices = #map}]} {
    %mul3A = arith.constant 2 : i32
    %mul3A_0 = arith.muli %arg1, %mul3A : i32
    %add3A = arith.addi %mul3A_0, %arg0 : i32
    %mul3A_1 = arith.constant 512 : i32
    %mul3A_2 = arith.muli %add3A, %mul3A_1 : i32
    "tpu.region"() ({
      %run_scoped3A = tpu.sem_alloc : memref<!tpu.dma_semaphore, #tpu.memory_space<semaphore_mem>>
      tpu.enqueue_dma source(%arg3 : memref<2048xi32, #tpu.memory_space<hbm>>) target(%arg5 : memref<2048xi32, #tpu.memory_space<vmem>>) target_semaphore(%run_scoped3A : memref<!tpu.dma_semaphore, #tpu.memory_space<semaphore_mem>>)
      tpu.wait_dma2 semaphore(%run_scoped3A : memref<!tpu.dma_semaphore, #tpu.memory_space<semaphore_mem>>) src(%arg3 : memref<2048xi32, #tpu.memory_space<hbm>>) dst(%arg5 : memref<2048xi32, #tpu.memory_space<vmem>>)
      tpu.yield
    }) : () -> ()
    %add3A_3 = arith.constant 0 : i32
    %add3A_4 = arith.addi %mul3A_2, %add3A_3 : i32
    %dma_start3A = arith.constant 0 : i32
    %dma_start3A_5 = tpu.memref_slice %arg2[%add3A_4, %dma_start3A] : memref<16384x2048xf32, #tpu.memory_space<hbm>> -> memref<4x2048xf32, #tpu.memory_space<hbm>>
    %dma_start3A_6 = arith.constant 0 : i32
    %dma_start3A_7 = tpu.memref_slice %arg2[%add3A_4, %dma_start3A_6] : memref<16384x2048xf32, #tpu.memory_space<hbm>> -> memref<4x2048xf32, #tpu.memory_space<hbm>>
    tpu.enqueue_dma source(%dma_start3A_7 : memref<4x2048xf32, #tpu.memory_space<hbm>>) target(%arg6 : memref<4x2048xf32, #tpu.memory_space<vmem>>) target_semaphore(%arg14 : memref<!tpu.dma_semaphore, #tpu.memory_space<semaphore_mem>>)
    %add3A_8 = arith.constant 4 : i32
    %add3A_9 = arith.addi %mul3A_2, %add3A_8 : i32
    %dma_start3A_10 = arith.constant 0 : i32
    %dma_start3A_11 = tpu.memref_slice %arg2[%add3A_9, %dma_start3A_10] : memref<16384x2048xf32, #tpu.memory_space<hbm>> -> memref<4x2048xf32, #tpu.memory_space<hbm>>
    %dma_start3A_12 = arith.constant 0 : i32
    %dma_start3A_13 = tpu.memref_slice %arg2[%add3A_9, %dma_start3A_12] : memref<16384x2048xf32, #tpu.memory_space<hbm>> -> memref<4x2048xf32, #tpu.memory_space<hbm>>
    tpu.enqueue_dma source(%dma_start3A_13 : memref<4x2048xf32, #tpu.memory_space<hbm>>) target(%arg7 : memref<4x2048xf32, #tpu.memory_space<vmem>>) target_semaphore(%arg15 : memref<!tpu.dma_semaphore, #tpu.memory_space<semaphore_mem>>)
    %add3A_14 = arith.constant 8 : i32
    %add3A_15 = arith.addi %mul3A_2, %add3A_14 : i32
    %dma_start3A_16 = arith.constant 0 : i32
    %dma_start3A_17 = tpu.memref_slice %arg2[%add3A_15, %dma_start3A_16] : memref<16384x2048xf32, #tpu.memory_space<hbm>> -> memref<4x2048xf32, #tpu.memory_space<hbm>>
    %dma_start3A_18 = arith.constant 0 : i32
    %dma_start3A_19 = tpu.memref_slice %arg2[%add3A_15, %dma_start3A_18] : memref<16384x2048xf32, #tpu.memory_space<hbm>> -> memref<4x2048xf32, #tpu.memory_space<hbm>>
    tpu.enqueue_dma source(%dma_start3A_19 : memref<4x2048xf32, #tpu.memory_space<hbm>>) target(%arg8 : memref<4x2048xf32, #tpu.memory_space<vmem>>) target_semaphore(%arg16 : memref<!tpu.dma_semaphore, #tpu.memory_space<semaphore_mem>>)
    %scan3A = arith.constant 0 : i32
    %scan3A_20 = arith.constant 0 : i32
    %scan3A_21 = arith.constant 32 : i32
    %scan3A_22 = arith.addi %scan3A_20, %scan3A_21 : i32
    %scan3A_23 = arith.constant 1 : i32
    scf.for %scan3A_48 = %scan3A_20 to %scan3A_22 step %scan3A_23  : i32 {
      %mul3A_49 = arith.constant 4 : i32
      %mul3A_50 = arith.muli %scan3A_48, %mul3A_49 : i32
      %add3A_51 = arith.constant 0 : i32
      %add3A_52 = arith.addi %mul3A_50, %add3A_51 : i32
      %add3A_53 = arith.constant 4 : i32
      %add3A_54 = arith.addi %add3A_52, %add3A_53 : i32
      %sub3A = arith.constant 1 : i32
      %sub3A_55 = arith.subi %add3A_54, %sub3A : i32
      %lt3A = arith.constant 128 : i32
      %lt3A_56 = arith.cmpi slt, %sub3A_55, %lt3A : i32
      %convert_element_type3A = arith.extui %lt3A_56 : i1 to i32
      %cond3A = arith.constant 0 : i32
      %cond3A_57 = arith.cmpi ne, %convert_element_type3A, %cond3A : i32
      scf.if %cond3A_57 {
        %add3A_183 = arith.constant 4 : i32
        %add3A_184 = arith.addi %add3A_52, %add3A_183 : i32
        %sub3A_185 = arith.constant 1 : i32
        %sub3A_186 = arith.subi %add3A_184, %sub3A_185 : i32
        %mul3A_187 = arith.constant 4 : i32
        %mul3A_188 = arith.muli %sub3A_186, %mul3A_187 : i32
        %add3A_189 = arith.addi %mul3A_2, %mul3A_188 : i32
        %dma_start3A_190 = arith.constant 0 : i32
        %dma_start3A_191 = tpu.memref_slice %arg2[%add3A_189, %dma_start3A_190] : memref<16384x2048xf32, #tpu.memory_space<hbm>> -> memref<4x2048xf32, #tpu.memory_space<hbm>>
        %dma_start3A_192 = arith.constant 0 : i32
        %dma_start3A_193 = tpu.memref_slice %arg2[%add3A_189, %dma_start3A_192] : memref<16384x2048xf32, #tpu.memory_space<hbm>> -> memref<4x2048xf32, #tpu.memory_space<hbm>>
        tpu.enqueue_dma source(%dma_start3A_193 : memref<4x2048xf32, #tpu.memory_space<hbm>>) target(%arg9 : memref<4x2048xf32, #tpu.memory_space<vmem>>) target_semaphore(%arg17 : memref<!tpu.dma_semaphore, #tpu.memory_space<semaphore_mem>>)
      } else {
      }
      %mul3A_58 = arith.constant 4 : i32
      %mul3A_59 = arith.muli %add3A_52, %mul3A_58 : i32
      %add3A_60 = arith.addi %mul3A_2, %mul3A_59 : i32
      %dma_wait3A_61 = arith.constant 0 : i32
      %dma_wait3A_62 = tpu.memref_slice %arg2[%add3A_60, %dma_wait3A_61] : memref<16384x2048xf32, #tpu.memory_space<hbm>> -> memref<4x2048xf32, #tpu.memory_space<hbm>>
      %dma_wait3A_63 = arith.constant 0 : i32
      %dma_wait3A_64 = tpu.memref_slice %arg2[%add3A_60, %dma_wait3A_63] : memref<16384x2048xf32, #tpu.memory_space<hbm>> -> memref<4x2048xf32, #tpu.memory_space<hbm>>
      tpu.wait_dma2 semaphore(%arg14 : memref<!tpu.dma_semaphore, #tpu.memory_space<semaphore_mem>>) src(%dma_wait3A_64 : memref<4x2048xf32, #tpu.memory_space<hbm>>) dst(%arg6 : memref<4x2048xf32, #tpu.memory_space<vmem>>)
      %ge3A = arith.constant 4 : i32
      %ge3A_65 = arith.cmpi sge, %add3A_52, %ge3A : i32
      %convert_element_type3A_66 = arith.extui %ge3A_65 : i1 to i32
      %cond3A_67 = arith.constant 0 : i32
      %cond3A_68 = arith.cmpi ne, %convert_element_type3A_66, %cond3A_67 : i32
      scf.if %cond3A_68 {
        %mul3A_183 = arith.constant 4 : i32
        %mul3A_184 = arith.muli %add3A_52, %mul3A_183 : i32
        %add3A_185 = arith.addi %mul3A_2, %mul3A_184 : i32
        %dma_wait3A_186 = arith.constant 0 : i32
        %dma_wait3A_187 = tpu.memref_slice %arg4[%add3A_185, %dma_wait3A_186] : memref<16384x2048xf32, #tpu.memory_space<hbm>> -> memref<4x2048xf32, #tpu.memory_space<hbm>>
        %dma_wait3A_188 = arith.constant 0 : i32
        %dma_wait3A_189 = tpu.memref_slice %arg4[%add3A_185, %dma_wait3A_188] : memref<16384x2048xf32, #tpu.memory_space<hbm>> -> memref<4x2048xf32, #tpu.memory_space<hbm>>
        tpu.wait_dma2 semaphore(%arg18 : memref<!tpu.dma_semaphore, #tpu.memory_space<semaphore_mem>>) src(%arg10 : memref<4x2048xf32, #tpu.memory_space<vmem>>) dst(%dma_wait3A_189 : memref<4x2048xf32, #tpu.memory_space<hbm>>)
      } else {
      }
      %parallel_loop3A = arith.constant 0 : i32
      %parallel_loop3A_69 = arith.constant 128 : i32
      %parallel_loop3A_70 = arith.constant 1 : i32
      scf.for %parallel_loop3A_183 = %parallel_loop3A to %parallel_loop3A_69 step %parallel_loop3A_70  : i32 {
        %parallel_loop3A_184 = arith.constant 16 : i32
        %parallel_loop3A_185 = arith.muli %parallel_loop3A_183, %parallel_loop3A_184 : i32
        %parallel_loop3A_186 = arith.index_cast %parallel_loop3A_185 : i32 to index
        %parallel_loop3A_187 = tpu.vector_load %arg5[%parallel_loop3A_186] {strides = array<i32>} : memref<2048xi32, #tpu.memory_space<vmem>>, vector<16xi32>,
        %parallel_loop3A_188 = arith.constant 16 : i32
        %parallel_loop3A_189 = arith.muli %parallel_loop3A_183, %parallel_loop3A_188 : i32
        %parallel_loop3A_190 = arith.constant 0 : i32
        %parallel_loop3A_191 = vector.broadcast %parallel_loop3A_190 : i32 to vector<16xi32>
        %parallel_loop3A_192 = tpu.vector_load_idx %arg6[%parallel_loop3A_191, %parallel_loop3A_187] : memref<4x2048xf32, #tpu.memory_space<vmem>>[vector<16xi32>, vector<16xi32>], vector<16xf32>,
        %parallel_loop3A_193 = arith.constant 1 : i32
        %parallel_loop3A_194 = vector.broadcast %parallel_loop3A_193 : i32 to vector<16xi32>
        %parallel_loop3A_195 = tpu.vector_load_idx %arg6[%parallel_loop3A_194, %parallel_loop3A_187] : memref<4x2048xf32, #tpu.memory_space<vmem>>[vector<16xi32>, vector<16xi32>], vector<16xf32>,
        %parallel_loop3A_196 = arith.constant 2 : i32
        %parallel_loop3A_197 = vector.broadcast %parallel_loop3A_196 : i32 to vector<16xi32>
        %parallel_loop3A_198 = tpu.vector_load_idx %arg6[%parallel_loop3A_197, %parallel_loop3A_187] : memref<4x2048xf32, #tpu.memory_space<vmem>>[vector<16xi32>, vector<16xi32>], vector<16xf32>,
        %parallel_loop3A_199 = arith.constant 3 : i32
        %parallel_loop3A_200 = vector.broadcast %parallel_loop3A_199 : i32 to vector<16xi32>
        %parallel_loop3A_201 = tpu.vector_load_idx %arg6[%parallel_loop3A_200, %parallel_loop3A_187] : memref<4x2048xf32, #tpu.memory_space<vmem>>[vector<16xi32>, vector<16xi32>], vector<16xf32>,
        %parallel_loop3A_202 = arith.constant 0 : i32
        %parallel_loop3A_203 = arith.index_cast %parallel_loop3A_202 : i32 to index
        %parallel_loop3A_204 = arith.index_cast %parallel_loop3A_189 : i32 to index
        %parallel_loop3A_205 = tpu.vector_load %arg10[%parallel_loop3A_203, %parallel_loop3A_204] {strides = array<i32>} : memref<4x2048xf32, #tpu.memory_space<vmem>>, vector<16xf32>,
        tpu.vector_store %arg10[%parallel_loop3A_203, %parallel_loop3A_204], %parallel_loop3A_192 {strides = array<i32>} : memref<4x2048xf32, #tpu.memory_space<vmem>>, vector<16xf32>,
        %parallel_loop3A_206 = arith.constant 1 : i32
        %parallel_loop3A_207 = arith.index_cast %parallel_loop3A_206 : i32 to index
        %parallel_loop3A_208 = arith.index_cast %parallel_loop3A_189 : i32 to index
        %parallel_loop3A_209 = tpu.vector_load %arg10[%parallel_loop3A_207, %parallel_loop3A_208] {strides = array<i32>} : memref<4x2048xf32, #tpu.memory_space<vmem>>, vector<16xf32>,
        tpu.vector_store %arg10[%parallel_loop3A_207, %parallel_loop3A_208], %parallel_loop3A_195 {strides = array<i32>} : memref<4x2048xf32, #tpu.memory_space<vmem>>, vector<16xf32>,
        %parallel_loop3A_210 = arith.constant 2 : i32
        %parallel_loop3A_211 = arith.index_cast %parallel_loop3A_210 : i32 to index
        %parallel_loop3A_212 = arith.index_cast %parallel_loop3A_189 : i32 to index
        %parallel_loop3A_213 = tpu.vector_load %arg10[%parallel_loop3A_211, %parallel_loop3A_212] {strides = array<i32>} : memref<4x2048xf32, #tpu.memory_space<vmem>>, vector<16xf32>,
        tpu.vector_store %arg10[%parallel_loop3A_211, %parallel_loop3A_212], %parallel_loop3A_198 {strides = array<i32>} : memref<4x2048xf32, #tpu.memory_space<vmem>>, vector<16xf32>,
        %parallel_loop3A_214 = arith.constant 3 : i32
        %parallel_loop3A_215 = arith.index_cast %parallel_loop3A_214 : i32 to index
        %parallel_loop3A_216 = arith.index_cast %parallel_loop3A_189 : i32 to index
        %parallel_loop3A_217 = tpu.vector_load %arg10[%parallel_loop3A_215, %parallel_loop3A_216] {strides = array<i32>} : memref<4x2048xf32, #tpu.memory_space<vmem>>, vector<16xf32>,
        tpu.vector_store %arg10[%parallel_loop3A_215, %parallel_loop3A_216], %parallel_loop3A_201 {strides = array<i32>} : memref<4x2048xf32, #tpu.memory_space<vmem>>, vector<16xf32>,
      } {sc.loop_unroll_factor = 2 : i64, sc.parallel_access}
      %mul3A_71 = arith.constant 4 : i32
      %mul3A_72 = arith.muli %add3A_52, %mul3A_71 : i32
      %add3A_73 = arith.addi %mul3A_2, %mul3A_72 : i32
      %dma_start3A_74 = arith.constant 0 : i32
      %dma_start3A_75 = tpu.memref_slice %arg4[%add3A_73, %dma_start3A_74] : memref<16384x2048xf32, #tpu.memory_space<hbm>> -> memref<4x2048xf32, #tpu.memory_space<hbm>>
      %dma_start3A_76 = arith.constant 0 : i32
      %dma_start3A_77 = tpu.memref_slice %arg4[%add3A_73, %dma_start3A_76] : memref<16384x2048xf32, #tpu.memory_space<hbm>> -> memref<4x2048xf32, #tpu.memory_space<hbm>>
      tpu.enqueue_dma source(%arg10 : memref<4x2048xf32, #tpu.memory_space<vmem>>) target(%dma_start3A_77 : memref<4x2048xf32, #tpu.memory_space<hbm>>) target_semaphore(%arg18 : memref<!tpu.dma_semaphore, #tpu.memory_space<semaphore_mem>>)
      %mul3A_78 = arith.constant 4 : i32
      %mul3A_79 = arith.muli %scan3A_48, %mul3A_78 : i32
      %add3A_80 = arith.constant 1 : i32
      %add3A_81 = arith.addi %mul3A_79, %add3A_80 : i32
      %add3A_82 = arith.constant 4 : i32
      %add3A_83 = arith.addi %add3A_81, %add3A_82 : i32
      %sub3A_84 = arith.constant 1 : i32
      %sub3A_85 = arith.subi %add3A_83, %sub3A_84 : i32
      %lt3A_86 = arith.constant 128 : i32
      %lt3A_87 = arith.cmpi slt, %sub3A_85, %lt3A_86 : i32
      %convert_element_type3A_88 = arith.extui %lt3A_87 : i1 to i32
      %cond3A_89 = arith.constant 0 : i32
      %cond3A_90 = arith.cmpi ne, %convert_element_type3A_88, %cond3A_89 : i32
      scf.if %cond3A_90 {
        %add3A_183 = arith.constant 4 : i32
        %add3A_184 = arith.addi %add3A_81, %add3A_183 : i32
        %sub3A_185 = arith.constant 1 : i32
        %sub3A_186 = arith.subi %add3A_184, %sub3A_185 : i32
        %mul3A_187 = arith.constant 4 : i32
        %mul3A_188 = arith.muli %sub3A_186, %mul3A_187 : i32
        %add3A_189 = arith.addi %mul3A_2, %mul3A_188 : i32
        %dma_start3A_190 = arith.constant 0 : i32
        %dma_start3A_191 = tpu.memref_slice %arg2[%add3A_189, %dma_start3A_190] : memref<16384x2048xf32, #tpu.memory_space<hbm>> -> memref<4x2048xf32, #tpu.memory_space<hbm>>
        %dma_start3A_192 = arith.constant 0 : i32
        %dma_start3A_193 = tpu.memref_slice %arg2[%add3A_189, %dma_start3A_192] : memref<16384x2048xf32, #tpu.memory_space<hbm>> -> memref<4x2048xf32, #tpu.memory_space<hbm>>
        tpu.enqueue_dma source(%dma_start3A_193 : memref<4x2048xf32, #tpu.memory_space<hbm>>) target(%arg6 : memref<4x2048xf32, #tpu.memory_space<vmem>>) target_semaphore(%arg14 : memref<!tpu.dma_semaphore, #tpu.memory_space<semaphore_mem>>)
      } else {
      }
      %mul3A_91 = arith.constant 4 : i32
      %mul3A_92 = arith.muli %add3A_81, %mul3A_91 : i32
      %add3A_93 = arith.addi %mul3A_2, %mul3A_92 : i32
      %dma_wait3A_94 = arith.constant 0 : i32
      %dma_wait3A_95 = tpu.memref_slice %arg2[%add3A_93, %dma_wait3A_94] : memref<16384x2048xf32, #tpu.memory_space<hbm>> -> memref<4x2048xf32, #tpu.memory_space<hbm>>
      %dma_wait3A_96 = arith.constant 0 : i32
      %dma_wait3A_97 = tpu.memref_slice %arg2[%add3A_93, %dma_wait3A_96] : memref<16384x2048xf32, #tpu.memory_space<hbm>> -> memref<4x2048xf32, #tpu.memory_space<hbm>>
      tpu.wait_dma2 semaphore(%arg15 : memref<!tpu.dma_semaphore, #tpu.memory_space<semaphore_mem>>) src(%dma_wait3A_97 : memref<4x2048xf32, #tpu.memory_space<hbm>>) dst(%arg7 : memref<4x2048xf32, #tpu.memory_space<vmem>>)
      %ge3A_98 = arith.constant 4 : i32
      %ge3A_99 = arith.cmpi sge, %add3A_81, %ge3A_98 : i32
      %convert_element_type3A_100 = arith.extui %ge3A_99 : i1 to i32
      %cond3A_101 = arith.constant 0 : i32
      %cond3A_102 = arith.cmpi ne, %convert_element_type3A_100, %cond3A_101 : i32
      scf.if %cond3A_102 {
        %mul3A_183 = arith.constant 4 : i32
        %mul3A_184 = arith.muli %add3A_81, %mul3A_183 : i32
        %add3A_185 = arith.addi %mul3A_2, %mul3A_184 : i32
        %dma_wait3A_186 = arith.constant 0 : i32
        %dma_wait3A_187 = tpu.memref_slice %arg4[%add3A_185, %dma_wait3A_186] : memref<16384x2048xf32, #tpu.memory_space<hbm>> -> memref<4x2048xf32, #tpu.memory_space<hbm>>
        %dma_wait3A_188 = arith.constant 0 : i32
        %dma_wait3A_189 = tpu.memref_slice %arg4[%add3A_185, %dma_wait3A_188] : memref<16384x2048xf32, #tpu.memory_space<hbm>> -> memref<4x2048xf32, #tpu.memory_space<hbm>>
        tpu.wait_dma2 semaphore(%arg19 : memref<!tpu.dma_semaphore, #tpu.memory_space<semaphore_mem>>) src(%arg11 : memref<4x2048xf32, #tpu.memory_space<vmem>>) dst(%dma_wait3A_189 : memref<4x2048xf32, #tpu.memory_space<hbm>>)
      } else {
      }
      %parallel_loop3A_103 = arith.constant 0 : i32
      %parallel_loop3A_104 = arith.constant 128 : i32
      %parallel_loop3A_105 = arith.constant 1 : i32
      scf.for %parallel_loop3A_183 = %parallel_loop3A_103 to %parallel_loop3A_104 step %parallel_loop3A_105  : i32 {
        %parallel_loop3A_184 = arith.constant 16 : i32
        %parallel_loop3A_185 = arith.muli %parallel_loop3A_183, %parallel_loop3A_184 : i32
        %parallel_loop3A_186 = arith.index_cast %parallel_loop3A_185 : i32 to index
        %parallel_loop3A_187 = tpu.vector_load %arg5[%parallel_loop3A_186] {strides = array<i32>} : memref<2048xi32, #tpu.memory_space<vmem>>, vector<16xi32>,
        %parallel_loop3A_188 = arith.constant 16 : i32
        %parallel_loop3A_189 = arith.muli %parallel_loop3A_183, %parallel_loop3A_188 : i32
        %parallel_loop3A_190 = arith.constant 0 : i32
        %parallel_loop3A_191 = vector.broadcast %parallel_loop3A_190 : i32 to vector<16xi32>
        %parallel_loop3A_192 = tpu.vector_load_idx %arg7[%parallel_loop3A_191, %parallel_loop3A_187] : memref<4x2048xf32, #tpu.memory_space<vmem>>[vector<16xi32>, vector<16xi32>], vector<16xf32>,
        %parallel_loop3A_193 = arith.constant 1 : i32
        %parallel_loop3A_194 = vector.broadcast %parallel_loop3A_193 : i32 to vector<16xi32>
        %parallel_loop3A_195 = tpu.vector_load_idx %arg7[%parallel_loop3A_194, %parallel_loop3A_187] : memref<4x2048xf32, #tpu.memory_space<vmem>>[vector<16xi32>, vector<16xi32>], vector<16xf32>,
        %parallel_loop3A_196 = arith.constant 2 : i32
        %parallel_loop3A_197 = vector.broadcast %parallel_loop3A_196 : i32 to vector<16xi32>
        %parallel_loop3A_198 = tpu.vector_load_idx %arg7[%parallel_loop3A_197, %parallel_loop3A_187] : memref<4x2048xf32, #tpu.memory_space<vmem>>[vector<16xi32>, vector<16xi32>], vector<16xf32>,
        %parallel_loop3A_199 = arith.constant 3 : i32
        %parallel_loop3A_200 = vector.broadcast %parallel_loop3A_199 : i32 to vector<16xi32>
        %parallel_loop3A_201 = tpu.vector_load_idx %arg7[%parallel_loop3A_200, %parallel_loop3A_187] : memref<4x2048xf32, #tpu.memory_space<vmem>>[vector<16xi32>, vector<16xi32>], vector<16xf32>,
        %parallel_loop3A_202 = arith.constant 0 : i32
        %parallel_loop3A_203 = arith.index_cast %parallel_loop3A_202 : i32 to index
        %parallel_loop3A_204 = arith.index_cast %parallel_loop3A_189 : i32 to index
        %parallel_loop3A_205 = tpu.vector_load %arg11[%parallel_loop3A_203, %parallel_loop3A_204] {strides = array<i32>} : memref<4x2048xf32, #tpu.memory_space<vmem>>, vector<16xf32>,
        tpu.vector_store %arg11[%parallel_loop3A_203, %parallel_loop3A_204], %parallel_loop3A_192 {strides = array<i32>} : memref<4x2048xf32, #tpu.memory_space<vmem>>, vector<16xf32>,
        %parallel_loop3A_206 = arith.constant 1 : i32
        %parallel_loop3A_207 = arith.index_cast %parallel_loop3A_206 : i32 to index
        %parallel_loop3A_208 = arith.index_cast %parallel_loop3A_189 : i32 to index
        %parallel_loop3A_209 = tpu.vector_load %arg11[%parallel_loop3A_207, %parallel_loop3A_208] {strides = array<i32>} : memref<4x2048xf32, #tpu.memory_space<vmem>>, vector<16xf32>,
        tpu.vector_store %arg11[%parallel_loop3A_207, %parallel_loop3A_208], %parallel_loop3A_195 {strides = array<i32>} : memref<4x2048xf32, #tpu.memory_space<vmem>>, vector<16xf32>,
        %parallel_loop3A_210 = arith.constant 2 : i32
        %parallel_loop3A_211 = arith.index_cast %parallel_loop3A_210 : i32 to index
        %parallel_loop3A_212 = arith.index_cast %parallel_loop3A_189 : i32 to index
        %parallel_loop3A_213 = tpu.vector_load %arg11[%parallel_loop3A_211, %parallel_loop3A_212] {strides = array<i32>} : memref<4x2048xf32, #tpu.memory_space<vmem>>, vector<16xf32>,
        tpu.vector_store %arg11[%parallel_loop3A_211, %parallel_loop3A_212], %parallel_loop3A_198 {strides = array<i32>} : memref<4x2048xf32, #tpu.memory_space<vmem>>, vector<16xf32>,
        %parallel_loop3A_214 = arith.constant 3 : i32
        %parallel_loop3A_215 = arith.index_cast %parallel_loop3A_214 : i32 to index
        %parallel_loop3A_216 = arith.index_cast %parallel_loop3A_189 : i32 to index
        %parallel_loop3A_217 = tpu.vector_load %arg11[%parallel_loop3A_215, %parallel_loop3A_216] {strides = array<i32>} : memref<4x2048xf32, #tpu.memory_space<vmem>>, vector<16xf32>,
        tpu.vector_store %arg11[%parallel_loop3A_215, %parallel_loop3A_216], %parallel_loop3A_201 {strides = array<i32>} : memref<4x2048xf32, #tpu.memory_space<vmem>>, vector<16xf32>,
      } {sc.loop_unroll_factor = 2 : i64, sc.parallel_access}
      %mul3A_106 = arith.constant 4 : i32
      %mul3A_107 = arith.muli %add3A_81, %mul3A_106 : i32
      %add3A_108 = arith.addi %mul3A_2, %mul3A_107 : i32
      %dma_start3A_109 = arith.constant 0 : i32
      %dma_start3A_110 = tpu.memref_slice %arg4[%add3A_108, %dma_start3A_109] : memref<16384x2048xf32, #tpu.memory_space<hbm>> -> memref<4x2048xf32, #tpu.memory_space<hbm>>
      %dma_start3A_111 = arith.constant 0 : i32
      %dma_start3A_112 = tpu.memref_slice %arg4[%add3A_108, %dma_start3A_111] : memref<16384x2048xf32, #tpu.memory_space<hbm>> -> memref<4x2048xf32, #tpu.memory_space<hbm>>
      tpu.enqueue_dma source(%arg11 : memref<4x2048xf32, #tpu.memory_space<vmem>>) target(%dma_start3A_112 : memref<4x2048xf32, #tpu.memory_space<hbm>>) target_semaphore(%arg19 : memref<!tpu.dma_semaphore, #tpu.memory_space<semaphore_mem>>)
      %mul3A_113 = arith.constant 4 : i32
      %mul3A_114 = arith.muli %scan3A_48, %mul3A_113 : i32
      %add3A_115 = arith.constant 2 : i32
      %add3A_116 = arith.addi %mul3A_114, %add3A_115 : i32
      %add3A_117 = arith.constant 4 : i32
      %add3A_118 = arith.addi %add3A_116, %add3A_117 : i32
      %sub3A_119 = arith.constant 1 : i32
      %sub3A_120 = arith.subi %add3A_118, %sub3A_119 : i32
      %lt3A_121 = arith.constant 128 : i32
      %lt3A_122 = arith.cmpi slt, %sub3A_120, %lt3A_121 : i32
      %convert_element_type3A_123 = arith.extui %lt3A_122 : i1 to i32
      %cond3A_124 = arith.constant 0 : i32
      %cond3A_125 = arith.cmpi ne, %convert_element_type3A_123, %cond3A_124 : i32
      scf.if %cond3A_125 {
        %add3A_183 = arith.constant 4 : i32
        %add3A_184 = arith.addi %add3A_116, %add3A_183 : i32
        %sub3A_185 = arith.constant 1 : i32
        %sub3A_186 = arith.subi %add3A_184, %sub3A_185 : i32
        %mul3A_187 = arith.constant 4 : i32
        %mul3A_188 = arith.muli %sub3A_186, %mul3A_187 : i32
        %add3A_189 = arith.addi %mul3A_2, %mul3A_188 : i32
        %dma_start3A_190 = arith.constant 0 : i32
        %dma_start3A_191 = tpu.memref_slice %arg2[%add3A_189, %dma_start3A_190] : memref<16384x2048xf32, #tpu.memory_space<hbm>> -> memref<4x2048xf32, #tpu.memory_space<hbm>>
        %dma_start3A_192 = arith.constant 0 : i32
        %dma_start3A_193 = tpu.memref_slice %arg2[%add3A_189, %dma_start3A_192] : memref<16384x2048xf32, #tpu.memory_space<hbm>> -> memref<4x2048xf32, #tpu.memory_space<hbm>>
        tpu.enqueue_dma source(%dma_start3A_193 : memref<4x2048xf32, #tpu.memory_space<hbm>>) target(%arg7 : memref<4x2048xf32, #tpu.memory_space<vmem>>) target_semaphore(%arg15 : memref<!tpu.dma_semaphore, #tpu.memory_space<semaphore_mem>>)
      } else {
      }
      %mul3A_126 = arith.constant 4 : i32
      %mul3A_127 = arith.muli %add3A_116, %mul3A_126 : i32
      %add3A_128 = arith.addi %mul3A_2, %mul3A_127 : i32
      %dma_wait3A_129 = arith.constant 0 : i32
      %dma_wait3A_130 = tpu.memref_slice %arg2[%add3A_128, %dma_wait3A_129] : memref<16384x2048xf32, #tpu.memory_space<hbm>> -> memref<4x2048xf32, #tpu.memory_space<hbm>>
      %dma_wait3A_131 = arith.constant 0 : i32
      %dma_wait3A_132 = tpu.memref_slice %arg2[%add3A_128, %dma_wait3A_131] : memref<16384x2048xf32, #tpu.memory_space<hbm>> -> memref<4x2048xf32, #tpu.memory_space<hbm>>
      tpu.wait_dma2 semaphore(%arg16 : memref<!tpu.dma_semaphore, #tpu.memory_space<semaphore_mem>>) src(%dma_wait3A_132 : memref<4x2048xf32, #tpu.memory_space<hbm>>) dst(%arg8 : memref<4x2048xf32, #tpu.memory_space<vmem>>)
      %ge3A_133 = arith.constant 4 : i32
      %ge3A_134 = arith.cmpi sge, %add3A_116, %ge3A_133 : i32
      %convert_element_type3A_135 = arith.extui %ge3A_134 : i1 to i32
      %cond3A_136 = arith.constant 0 : i32
      %cond3A_137 = arith.cmpi ne, %convert_element_type3A_135, %cond3A_136 : i32
      scf.if %cond3A_137 {
        %mul3A_183 = arith.constant 4 : i32
        %mul3A_184 = arith.muli %add3A_116, %mul3A_183 : i32
        %add3A_185 = arith.addi %mul3A_2, %mul3A_184 : i32
        %dma_wait3A_186 = arith.constant 0 : i32
        %dma_wait3A_187 = tpu.memref_slice %arg4[%add3A_185, %dma_wait3A_186] : memref<16384x2048xf32, #tpu.memory_space<hbm>> -> memref<4x2048xf32, #tpu.memory_space<hbm>>
        %dma_wait3A_188 = arith.constant 0 : i32
        %dma_wait3A_189 = tpu.memref_slice %arg4[%add3A_185, %dma_wait3A_188] : memref<16384x2048xf32, #tpu.memory_space<hbm>> -> memref<4x2048xf32, #tpu.memory_space<hbm>>
        tpu.wait_dma2 semaphore(%arg20 : memref<!tpu.dma_semaphore, #tpu.memory_space<semaphore_mem>>) src(%arg12 : memref<4x2048xf32, #tpu.memory_space<vmem>>) dst(%dma_wait3A_189 : memref<4x2048xf32, #tpu.memory_space<hbm>>)
      } else {
      }
      %parallel_loop3A_138 = arith.constant 0 : i32
      %parallel_loop3A_139 = arith.constant 128 : i32
      %parallel_loop3A_140 = arith.constant 1 : i32
      scf.for %parallel_loop3A_183 = %parallel_loop3A_138 to %parallel_loop3A_139 step %parallel_loop3A_140  : i32 {
        %parallel_loop3A_184 = arith.constant 16 : i32
        %parallel_loop3A_185 = arith.muli %parallel_loop3A_183, %parallel_loop3A_184 : i32
        %parallel_loop3A_186 = arith.index_cast %parallel_loop3A_185 : i32 to index
        %parallel_loop3A_187 = tpu.vector_load %arg5[%parallel_loop3A_186] {strides = array<i32>} : memref<2048xi32, #tpu.memory_space<vmem>>, vector<16xi32>,
        %parallel_loop3A_188 = arith.constant 16 : i32
        %parallel_loop3A_189 = arith.muli %parallel_loop3A_183, %parallel_loop3A_188 : i32
        %parallel_loop3A_190 = arith.constant 0 : i32
        %parallel_loop3A_191 = vector.broadcast %parallel_loop3A_190 : i32 to vector<16xi32>
        %parallel_loop3A_192 = tpu.vector_load_idx %arg8[%parallel_loop3A_191, %parallel_loop3A_187] : memref<4x2048xf32, #tpu.memory_space<vmem>>[vector<16xi32>, vector<16xi32>], vector<16xf32>,
        %parallel_loop3A_193 = arith.constant 1 : i32
        %parallel_loop3A_194 = vector.broadcast %parallel_loop3A_193 : i32 to vector<16xi32>
        %parallel_loop3A_195 = tpu.vector_load_idx %arg8[%parallel_loop3A_194, %parallel_loop3A_187] : memref<4x2048xf32, #tpu.memory_space<vmem>>[vector<16xi32>, vector<16xi32>], vector<16xf32>,
        %parallel_loop3A_196 = arith.constant 2 : i32
        %parallel_loop3A_197 = vector.broadcast %parallel_loop3A_196 : i32 to vector<16xi32>
        %parallel_loop3A_198 = tpu.vector_load_idx %arg8[%parallel_loop3A_197, %parallel_loop3A_187] : memref<4x2048xf32, #tpu.memory_space<vmem>>[vector<16xi32>, vector<16xi32>], vector<16xf32>,
        %parallel_loop3A_199 = arith.constant 3 : i32
        %parallel_loop3A_200 = vector.broadcast %parallel_loop3A_199 : i32 to vector<16xi32>
        %parallel_loop3A_201 = tpu.vector_load_idx %arg8[%parallel_loop3A_200, %parallel_loop3A_187] : memref<4x2048xf32, #tpu.memory_space<vmem>>[vector<16xi32>, vector<16xi32>], vector<16xf32>,
        %parallel_loop3A_202 = arith.constant 0 : i32
        %parallel_loop3A_203 = arith.index_cast %parallel_loop3A_202 : i32 to index
        %parallel_loop3A_204 = arith.index_cast %parallel_loop3A_189 : i32 to index
        %parallel_loop3A_205 = tpu.vector_load %arg12[%parallel_loop3A_203, %parallel_loop3A_204] {strides = array<i32>} : memref<4x2048xf32, #tpu.memory_space<vmem>>, vector<16xf32>,
        tpu.vector_store %arg12[%parallel_loop3A_203, %parallel_loop3A_204], %parallel_loop3A_192 {strides = array<i32>} : memref<4x2048xf32, #tpu.memory_space<vmem>>, vector<16xf32>,
        %parallel_loop3A_206 = arith.constant 1 : i32
        %parallel_loop3A_207 = arith.index_cast %parallel_loop3A_206 : i32 to index
        %parallel_loop3A_208 = arith.index_cast %parallel_loop3A_189 : i32 to index
        %parallel_loop3A_209 = tpu.vector_load %arg12[%parallel_loop3A_207, %parallel_loop3A_208] {strides = array<i32>} : memref<4x2048xf32, #tpu.memory_space<vmem>>, vector<16xf32>,
        tpu.vector_store %arg12[%parallel_loop3A_207, %parallel_loop3A_208], %parallel_loop3A_195 {strides = array<i32>} : memref<4x2048xf32, #tpu.memory_space<vmem>>, vector<16xf32>,
        %parallel_loop3A_210 = arith.constant 2 : i32
        %parallel_loop3A_211 = arith.index_cast %parallel_loop3A_210 : i32 to index
        %parallel_loop3A_212 = arith.index_cast %parallel_loop3A_189 : i32 to index
        %parallel_loop3A_213 = tpu.vector_load %arg12[%parallel_loop3A_211, %parallel_loop3A_212] {strides = array<i32>} : memref<4x2048xf32, #tpu.memory_space<vmem>>, vector<16xf32>,
        tpu.vector_store %arg12[%parallel_loop3A_211, %parallel_loop3A_212], %parallel_loop3A_198 {strides = array<i32>} : memref<4x2048xf32, #tpu.memory_space<vmem>>, vector<16xf32>,
        %parallel_loop3A_214 = arith.constant 3 : i32
        %parallel_loop3A_215 = arith.index_cast %parallel_loop3A_214 : i32 to index
        %parallel_loop3A_216 = arith.index_cast %parallel_loop3A_189 : i32 to index
        %parallel_loop3A_217 = tpu.vector_load %arg12[%parallel_loop3A_215, %parallel_loop3A_216] {strides = array<i32>} : memref<4x2048xf32, #tpu.memory_space<vmem>>, vector<16xf32>,
        tpu.vector_store %arg12[%parallel_loop3A_215, %parallel_loop3A_216], %parallel_loop3A_201 {strides = array<i32>} : memref<4x2048xf32, #tpu.memory_space<vmem>>, vector<16xf32>,
      } {sc.loop_unroll_factor = 2 : i64, sc.parallel_access}
      %mul3A_141 = arith.constant 4 : i32
      %mul3A_142 = arith.muli %add3A_116, %mul3A_141 : i32
      %add3A_143 = arith.addi %mul3A_2, %mul3A_142 : i32
      %dma_start3A_144 = arith.constant 0 : i32
      %dma_start3A_145 = tpu.memref_slice %arg4[%add3A_143, %dma_start3A_144] : memref<16384x2048xf32, #tpu.memory_space<hbm>> -> memref<4x2048xf32, #tpu.memory_space<hbm>>
      %dma_start3A_146 = arith.constant 0 : i32
      %dma_start3A_147 = tpu.memref_slice %arg4[%add3A_143, %dma_start3A_146] : memref<16384x2048xf32, #tpu.memory_space<hbm>> -> memref<4x2048xf32, #tpu.memory_space<hbm>>
      tpu.enqueue_dma source(%arg12 : memref<4x2048xf32, #tpu.memory_space<vmem>>) target(%dma_start3A_147 : memref<4x2048xf32, #tpu.memory_space<hbm>>) target_semaphore(%arg20 : memref<!tpu.dma_semaphore, #tpu.memory_space<semaphore_mem>>)
      %mul3A_148 = arith.constant 4 : i32
      %mul3A_149 = arith.muli %scan3A_48, %mul3A_148 : i32
      %add3A_150 = arith.constant 3 : i32
      %add3A_151 = arith.addi %mul3A_149, %add3A_150 : i32
      %add3A_152 = arith.constant 4 : i32
      %add3A_153 = arith.addi %add3A_151, %add3A_152 : i32
      %sub3A_154 = arith.constant 1 : i32
      %sub3A_155 = arith.subi %add3A_153, %sub3A_154 : i32
      %lt3A_156 = arith.constant 128 : i32
      %lt3A_157 = arith.cmpi slt, %sub3A_155, %lt3A_156 : i32
      %convert_element_type3A_158 = arith.extui %lt3A_157 : i1 to i32
      %cond3A_159 = arith.constant 0 : i32
      %cond3A_160 = arith.cmpi ne, %convert_element_type3A_158, %cond3A_159 : i32
      scf.if %cond3A_160 {
        %add3A_183 = arith.constant 4 : i32
        %add3A_184 = arith.addi %add3A_151, %add3A_183 : i32
        %sub3A_185 = arith.constant 1 : i32
        %sub3A_186 = arith.subi %add3A_184, %sub3A_185 : i32
        %mul3A_187 = arith.constant 4 : i32
        %mul3A_188 = arith.muli %sub3A_186, %mul3A_187 : i32
        %add3A_189 = arith.addi %mul3A_2, %mul3A_188 : i32
        %dma_start3A_190 = arith.constant 0 : i32
        %dma_start3A_191 = tpu.memref_slice %arg2[%add3A_189, %dma_start3A_190] : memref<16384x2048xf32, #tpu.memory_space<hbm>> -> memref<4x2048xf32, #tpu.memory_space<hbm>>
        %dma_start3A_192 = arith.constant 0 : i32
        %dma_start3A_193 = tpu.memref_slice %arg2[%add3A_189, %dma_start3A_192] : memref<16384x2048xf32, #tpu.memory_space<hbm>> -> memref<4x2048xf32, #tpu.memory_space<hbm>>
        tpu.enqueue_dma source(%dma_start3A_193 : memref<4x2048xf32, #tpu.memory_space<hbm>>) target(%arg8 : memref<4x2048xf32, #tpu.memory_space<vmem>>) target_semaphore(%arg16 : memref<!tpu.dma_semaphore, #tpu.memory_space<semaphore_mem>>)
      } else {
      }
      %mul3A_161 = arith.constant 4 : i32
      %mul3A_162 = arith.muli %add3A_151, %mul3A_161 : i32
      %add3A_163 = arith.addi %mul3A_2, %mul3A_162 : i32
      %dma_wait3A_164 = arith.constant 0 : i32
      %dma_wait3A_165 = tpu.memref_slice %arg2[%add3A_163, %dma_wait3A_164] : memref<16384x2048xf32, #tpu.memory_space<hbm>> -> memref<4x2048xf32, #tpu.memory_space<hbm>>
      %dma_wait3A_166 = arith.constant 0 : i32
      %dma_wait3A_167 = tpu.memref_slice %arg2[%add3A_163, %dma_wait3A_166] : memref<16384x2048xf32, #tpu.memory_space<hbm>> -> memref<4x2048xf32, #tpu.memory_space<hbm>>
      tpu.wait_dma2 semaphore(%arg17 : memref<!tpu.dma_semaphore, #tpu.memory_space<semaphore_mem>>) src(%dma_wait3A_167 : memref<4x2048xf32, #tpu.memory_space<hbm>>) dst(%arg9 : memref<4x2048xf32, #tpu.memory_space<vmem>>)
      %ge3A_168 = arith.constant 4 : i32
      %ge3A_169 = arith.cmpi sge, %add3A_151, %ge3A_168 : i32
      %convert_element_type3A_170 = arith.extui %ge3A_169 : i1 to i32
      %cond3A_171 = arith.constant 0 : i32
      %cond3A_172 = arith.cmpi ne, %convert_element_type3A_170, %cond3A_171 : i32
      scf.if %cond3A_172 {
        %mul3A_183 = arith.constant 4 : i32
        %mul3A_184 = arith.muli %add3A_151, %mul3A_183 : i32
        %add3A_185 = arith.addi %mul3A_2, %mul3A_184 : i32
        %dma_wait3A_186 = arith.constant 0 : i32
        %dma_wait3A_187 = tpu.memref_slice %arg4[%add3A_185, %dma_wait3A_186] : memref<16384x2048xf32, #tpu.memory_space<hbm>> -> memref<4x2048xf32, #tpu.memory_space<hbm>>
        %dma_wait3A_188 = arith.constant 0 : i32
        %dma_wait3A_189 = tpu.memref_slice %arg4[%add3A_185, %dma_wait3A_188] : memref<16384x2048xf32, #tpu.memory_space<hbm>> -> memref<4x2048xf32, #tpu.memory_space<hbm>>
        tpu.wait_dma2 semaphore(%arg21 : memref<!tpu.dma_semaphore, #tpu.memory_space<semaphore_mem>>) src(%arg13 : memref<4x2048xf32, #tpu.memory_space<vmem>>) dst(%dma_wait3A_189 : memref<4x2048xf32, #tpu.memory_space<hbm>>)
      } else {
      }
      %parallel_loop3A_173 = arith.constant 0 : i32
      %parallel_loop3A_174 = arith.constant 128 : i32
      %parallel_loop3A_175 = arith.constant 1 : i32
      scf.for %parallel_loop3A_183 = %parallel_loop3A_173 to %parallel_loop3A_174 step %parallel_loop3A_175  : i32 {
        %parallel_loop3A_184 = arith.constant 16 : i32
        %parallel_loop3A_185 = arith.muli %parallel_loop3A_183, %parallel_loop3A_184 : i32
        %parallel_loop3A_186 = arith.index_cast %parallel_loop3A_185 : i32 to index
        %parallel_loop3A_187 = tpu.vector_load %arg5[%parallel_loop3A_186] {strides = array<i32>} : memref<2048xi32, #tpu.memory_space<vmem>>, vector<16xi32>,
        %parallel_loop3A_188 = arith.constant 16 : i32
        %parallel_loop3A_189 = arith.muli %parallel_loop3A_183, %parallel_loop3A_188 : i32
        %parallel_loop3A_190 = arith.constant 0 : i32
        %parallel_loop3A_191 = vector.broadcast %parallel_loop3A_190 : i32 to vector<16xi32>
        %parallel_loop3A_192 = tpu.vector_load_idx %arg9[%parallel_loop3A_191, %parallel_loop3A_187] : memref<4x2048xf32, #tpu.memory_space<vmem>>[vector<16xi32>, vector<16xi32>], vector<16xf32>,
        %parallel_loop3A_193 = arith.constant 1 : i32
        %parallel_loop3A_194 = vector.broadcast %parallel_loop3A_193 : i32 to vector<16xi32>
        %parallel_loop3A_195 = tpu.vector_load_idx %arg9[%parallel_loop3A_194, %parallel_loop3A_187] : memref<4x2048xf32, #tpu.memory_space<vmem>>[vector<16xi32>, vector<16xi32>], vector<16xf32>,
        %parallel_loop3A_196 = arith.constant 2 : i32
        %parallel_loop3A_197 = vector.broadcast %parallel_loop3A_196 : i32 to vector<16xi32>
        %parallel_loop3A_198 = tpu.vector_load_idx %arg9[%parallel_loop3A_197, %parallel_loop3A_187] : memref<4x2048xf32, #tpu.memory_space<vmem>>[vector<16xi32>, vector<16xi32>], vector<16xf32>,
        %parallel_loop3A_199 = arith.constant 3 : i32
        %parallel_loop3A_200 = vector.broadcast %parallel_loop3A_199 : i32 to vector<16xi32>
        %parallel_loop3A_201 = tpu.vector_load_idx %arg9[%parallel_loop3A_200, %parallel_loop3A_187] : memref<4x2048xf32, #tpu.memory_space<vmem>>[vector<16xi32>, vector<16xi32>], vector<16xf32>,
        %parallel_loop3A_202 = arith.constant 0 : i32
        %parallel_loop3A_203 = arith.index_cast %parallel_loop3A_202 : i32 to index
        %parallel_loop3A_204 = arith.index_cast %parallel_loop3A_189 : i32 to index
        %parallel_loop3A_205 = tpu.vector_load %arg13[%parallel_loop3A_203, %parallel_loop3A_204] {strides = array<i32>} : memref<4x2048xf32, #tpu.memory_space<vmem>>, vector<16xf32>,
        tpu.vector_store %arg13[%parallel_loop3A_203, %parallel_loop3A_204], %parallel_loop3A_192 {strides = array<i32>} : memref<4x2048xf32, #tpu.memory_space<vmem>>, vector<16xf32>,
        %parallel_loop3A_206 = arith.constant 1 : i32
        %parallel_loop3A_207 = arith.index_cast %parallel_loop3A_206 : i32 to index
        %parallel_loop3A_208 = arith.index_cast %parallel_loop3A_189 : i32 to index
        %parallel_loop3A_209 = tpu.vector_load %arg13[%parallel_loop3A_207, %parallel_loop3A_208] {strides = array<i32>} : memref<4x2048xf32, #tpu.memory_space<vmem>>, vector<16xf32>,
        tpu.vector_store %arg13[%parallel_loop3A_207, %parallel_loop3A_208], %parallel_loop3A_195 {strides = array<i32>} : memref<4x2048xf32, #tpu.memory_space<vmem>>, vector<16xf32>,
        %parallel_loop3A_210 = arith.constant 2 : i32
        %parallel_loop3A_211 = arith.index_cast %parallel_loop3A_210 : i32 to index
        %parallel_loop3A_212 = arith.index_cast %parallel_loop3A_189 : i32 to index
        %parallel_loop3A_213 = tpu.vector_load %arg13[%parallel_loop3A_211, %parallel_loop3A_212] {strides = array<i32>} : memref<4x2048xf32, #tpu.memory_space<vmem>>, vector<16xf32>,
        tpu.vector_store %arg13[%parallel_loop3A_211, %parallel_loop3A_212], %parallel_loop3A_198 {strides = array<i32>} : memref<4x2048xf32, #tpu.memory_space<vmem>>, vector<16xf32>,
        %parallel_loop3A_214 = arith.constant 3 : i32
        %parallel_loop3A_215 = arith.index_cast %parallel_loop3A_214 : i32 to index
        %parallel_loop3A_216 = arith.index_cast %parallel_loop3A_189 : i32 to index
        %parallel_loop3A_217 = tpu.vector_load %arg13[%parallel_loop3A_215, %parallel_loop3A_216] {strides = array<i32>} : memref<4x2048xf32, #tpu.memory_space<vmem>>, vector<16xf32>,
        tpu.vector_store %arg13[%parallel_loop3A_215, %parallel_loop3A_216], %parallel_loop3A_201 {strides = array<i32>} : memref<4x2048xf32, #tpu.memory_space<vmem>>, vector<16xf32>,
      } {sc.loop_unroll_factor = 2 : i64, sc.parallel_access}
      %mul3A_176 = arith.constant 4 : i32
      %mul3A_177 = arith.muli %add3A_151, %mul3A_176 : i32
      %add3A_178 = arith.addi %mul3A_2, %mul3A_177 : i32
      %dma_start3A_179 = arith.constant 0 : i32
      %dma_start3A_180 = tpu.memref_slice %arg4[%add3A_178, %dma_start3A_179] : memref<16384x2048xf32, #tpu.memory_space<hbm>> -> memref<4x2048xf32, #tpu.memory_space<hbm>>
      %dma_start3A_181 = arith.constant 0 : i32
      %dma_start3A_182 = tpu.memref_slice %arg4[%add3A_178, %dma_start3A_181] : memref<16384x2048xf32, #tpu.memory_space<hbm>> -> memref<4x2048xf32, #tpu.memory_space<hbm>>
      tpu.enqueue_dma source(%arg13 : memref<4x2048xf32, #tpu.memory_space<vmem>>) target(%dma_start3A_182 : memref<4x2048xf32, #tpu.memory_space<hbm>>) target_semaphore(%arg21 : memref<!tpu.dma_semaphore, #tpu.memory_space<semaphore_mem>>)
    }
    %scan3A_24 = arith.constant 32 : i32
    %add3A_25 = arith.constant 496 : i32
    %add3A_26 = arith.addi %mul3A_2, %add3A_25 : i32
    %dma_wait3A = arith.constant 0 : i32
    %dma_wait3A_27 = tpu.memref_slice %arg4[%add3A_26, %dma_wait3A] : memref<16384x2048xf32, #tpu.memory_space<hbm>> -> memref<4x2048xf32, #tpu.memory_space<hbm>>
    %dma_wait3A_28 = arith.constant 0 : i32
    %dma_wait3A_29 = tpu.memref_slice %arg4[%add3A_26, %dma_wait3A_28] : memref<16384x2048xf32, #tpu.memory_space<hbm>> -> memref<4x2048xf32, #tpu.memory_space<hbm>>
    tpu.wait_dma2 semaphore(%arg18 : memref<!tpu.dma_semaphore, #tpu.memory_space<semaphore_mem>>) src(%arg10 : memref<4x2048xf32, #tpu.memory_space<vmem>>) dst(%dma_wait3A_29 : memref<4x2048xf32, #tpu.memory_space<hbm>>)
    %add3A_30 = arith.constant 500 : i32
    %add3A_31 = arith.addi %mul3A_2, %add3A_30 : i32
    %dma_wait3A_32 = arith.constant 0 : i32
    %dma_wait3A_33 = tpu.memref_slice %arg4[%add3A_31, %dma_wait3A_32] : memref<16384x2048xf32, #tpu.memory_space<hbm>> -> memref<4x2048xf32, #tpu.memory_space<hbm>>
    %dma_wait3A_34 = arith.constant 0 : i32
    %dma_wait3A_35 = tpu.memref_slice %arg4[%add3A_31, %dma_wait3A_34] : memref<16384x2048xf32, #tpu.memory_space<hbm>> -> memref<4x2048xf32, #tpu.memory_space<hbm>>
    tpu.wait_dma2 semaphore(%arg19 : memref<!tpu.dma_semaphore, #tpu.memory_space<semaphore_mem>>) src(%arg11 : memref<4x2048xf32, #tpu.memory_space<vmem>>) dst(%dma_wait3A_35 : memref<4x2048xf32, #tpu.memory_space<hbm>>)
    %add3A_36 = arith.constant 504 : i32
    %add3A_37 = arith.addi %mul3A_2, %add3A_36 : i32
    %dma_wait3A_38 = arith.constant 0 : i32
    %dma_wait3A_39 = tpu.memref_slice %arg4[%add3A_37, %dma_wait3A_38] : memref<16384x2048xf32, #tpu.memory_space<hbm>> -> memref<4x2048xf32, #tpu.memory_space<hbm>>
    %dma_wait3A_40 = arith.constant 0 : i32
    %dma_wait3A_41 = tpu.memref_slice %arg4[%add3A_37, %dma_wait3A_40] : memref<16384x2048xf32, #tpu.memory_space<hbm>> -> memref<4x2048xf32, #tpu.memory_space<hbm>>
    tpu.wait_dma2 semaphore(%arg20 : memref<!tpu.dma_semaphore, #tpu.memory_space<semaphore_mem>>) src(%arg12 : memref<4x2048xf32, #tpu.memory_space<vmem>>) dst(%dma_wait3A_41 : memref<4x2048xf32, #tpu.memory_space<hbm>>)
    %add3A_42 = arith.constant 508 : i32
    %add3A_43 = arith.addi %mul3A_2, %add3A_42 : i32
    %dma_wait3A_44 = arith.constant 0 : i32
    %dma_wait3A_45 = tpu.memref_slice %arg4[%add3A_43, %dma_wait3A_44] : memref<16384x2048xf32, #tpu.memory_space<hbm>> -> memref<4x2048xf32, #tpu.memory_space<hbm>>
    %dma_wait3A_46 = arith.constant 0 : i32
    %dma_wait3A_47 = tpu.memref_slice %arg4[%add3A_43, %dma_wait3A_46] : memref<16384x2048xf32, #tpu.memory_space<hbm>> -> memref<4x2048xf32, #tpu.memory_space<hbm>>
    tpu.wait_dma2 semaphore(%arg21 : memref<!tpu.dma_semaphore, #tpu.memory_space<semaphore_mem>>) src(%arg13 : memref<4x2048xf32, #tpu.memory_space<vmem>>) dst(%dma_wait3A_47 : memref<4x2048xf32, #tpu.memory_space<hbm>>)
    return
  }
}

</mosaic_0001>

<sc_bundles>
// kernel: kernel.3.cloned.1.call-start
scs
__scs_entry_jumppad:
0x0: {  	(pc) =	sbr.rel $0x88, $3  }
0x1: {  	(tag) =	ssettag $0x0;
	lr =	simm.s32 $0x1  }
0x2: {  	[smem:$0x3F9F] =	sst lr;
	_ =	strace $0xD0000000  }
0x3: {  	_ = 	snop  }
0x4: {  	_ = 	snop  }
0x5: {  	_ = 	snop  }
0x6: {  	_ = 	snop  }
0x7: {  	_ = 	snop  }
__scs_overlays_trampoline_lowered:
0x8: {  	[smem:$0x3FAE] =	sst s0  }
0x9: {  	[smem:$0x3FAF] =	sst s1  }
0xa: {  	[smem:$0x3FB0] =	sst s2  }
0xb: {  	[smem:$0x3FB1] =	sst s3  }
0xc: {  	[smem:$0x3FB2] =	sst s4  }
0xd: {  	[smem:$0x3FB3] =	sst s5  }
0xe: {  	[smem:$0x3FB4] =	sst s6  }
0xf: {  	[smem:$0x3FB5] =	sst s7  }
0x10: {  	[smem:$0x3FB6] =	sst s8  }
0x11: {  	[smem:$0x3FB7] =	sst s9;
	s0 =	simm.s32 @!p0 $0x0  }
0x12: {  	s1 =	sld [smem:$0x3F9D];
	s0 =	simm.s32 @p0 $0x1  }
0x13: {  	[smem:$0x3FB8] =	sst s0;
	s0 =	simm.s32 @!p1 $0x0  }
0x14: {  	s2 =	sld [smem:$0x3F9C];
	s0 =	simm.s32 @p1 $0x1  }
0x15: {  	[smem:$0x3FB9] =	sst s0;
	s0 =	simm.s32 @!p2 $0x0  }
0x16: {  	s3 =	sld [smem:$0x3FDB];
	s0 =	simm.s32 @p2 $0x1  }
0x17: {  	s4 =	simm.s32 $0x1BF5;
	[smem:$0x3FBB] =	sst s0  }
0x18: {  	s0 =	sld [smem:$0x3F9E];
	_ =	swait.ge [sflag:s4], $0x0  }
0x19: {  	s7 =	sld [smem:$0x3F9F]  }
0x1a: {  	s8 =	sadd.s32 $0xFFFFE003, lr  }
0x1b: {  	s9 =	sadd.s32 $0xFFFFFEF7, lr;
	s5 =	simm.s32 $0xFFFFFFFF;
	p2 =	slt.u32 s8, $0xFFFFF086  }
0x1c: {  	p1 =	slt.u32 s9, $0xF7A;
	s5 =	simm.s32 @!p2 $0x0  }
0x1d: {  	s5 =	simm.s32 @p1 $0x1;
	p0 =	seq.s32 s7, s2  }
0x1e: {  	s7 =	smul.u32 @!p0 $0xF7A, s2;
	p2 =	seq.s32 @!p0 s5, $0x0  }
0x1f: {  	s9 =	smul.u32 $0xF7A, s1;
	s8 =	simm.s32 @!p0 $0x1BF5;
	p2 =	por !p2, p0  }
0x20: {  	[sflag:s8] =	ssyncset.s32 @!p0 $0xFFFFF086;
	s6 =	sadd.s32 @!p0 s3, s7;
	s7 =	simm.s32 @!p0 $0x108  }
0x21: {  	s3 =	sadd.s32 s3, s9;
	s6 =	sadd.s32 @!p0 $0x88, s6;
	s7 =	simm.s32 @p2 $0x1082  }
0x22: {  	[simem:s7], [sflag:s8] =	dma.local @!p0 [hbm:s6], $0xF7A  }
0x23: {  	s9 =	sor.u32 $0xD0000000, s2;
	s6 =	simm.s32 $0x108;
	_ =	swait.ge @!p0 [sflag:s8], $0x0  }
0x24: {  	s3 =	sadd.s32 $0x88, s3;
	s6 =	simm.s32 @!p1 $0x1082;
	[sflag:s4] =	ssyncset.s32 $0xFFFFF086  }
0x25: {  	[simem:s6], [sflag:s4] =	dma.local [hbm:s3], $0xF7A  }
0x26: {  	[smem:$0x3F9F] =	sst s1;
	(tag) =	ssettag s2;
	_ =	strace s9  }
0x27: {  	s1 =	sld [smem:$0x3FAF]  }
0x28: {  	s2 =	sld [smem:$0x3FB0]  }
0x29: {  	s4 =	sld [smem:$0x3FB2]  }
0x2a: {  	p0 =	seq.s32 s5, $0x0;
	s5 =	sld [smem:$0x3FB3]  }
0x2b: {  	s6 =	sld [smem:$0x3FB4]  }
0x2c: {  	s7 =	sld [smem:$0x3FB5]  }
0x2d: {  	s3 =	simm.s32 $0x108;
	s8 =	sld [smem:$0x3FB6]  }
0x2e: {  	s3 =	simm.s32 @!p0 $0x1082;
	s9 =	sld [smem:$0x3FB7]  }
0x2f: {  	lr =	sadd.s32 s0, s3;
	s0 =	sld [smem:$0x3FAE]  }
0x30: {  	s3 =	sld [smem:$0x3FB1]  }
0x31: {  	[smem:$0x3FBA] =	sst s10  }
0x32: {  	s10 =	sld [smem:$0x3FB8];
	_ =	sdelay $0x3  }
0x33: {  	p0 =	seq.s32 s10, $0x1;
	s10 =	sld [smem:$0x3FBA];
	_ =	sdelay $0x3  }
0x34: {  	[smem:$0x3FBA] =	sst s10  }
0x35: {  	s10 =	sld [smem:$0x3FB9];
	_ =	sdelay $0x3  }
0x36: {  	p1 =	seq.s32 s10, $0x1;
	s10 =	sld [smem:$0x3FBA];
	_ =	sdelay $0x3  }
0x37: {  	[smem:$0x3FBA] =	sst s10  }
0x38: {  	s10 =	sld [smem:$0x3FBB]  }
0x39: {  	_ = 	snop;
	(pc) =	sbr.ind lr, $3  }
0x3a: {  	_ = 	snop  }
0x3b: {  	_ = 	snop  }
0x3c: {  	p2 =	seq.s32 s10, $0x1;
	s10 =	sld [smem:$0x3FBA]  }
0x3d: {  	_ =	shalt  }
0x3e: {  	_ =	shalt  }
0x3f: {  	_ =	shalt  }
0x40: {  	_ =	shalt  }
0x41: {  	_ =	shalt  }
0x42: {  	_ =	shalt  }
0x43: {  	_ =	shalt  }
0x44: {  	_ =	shalt  }
0x45: {  	_ =	shalt  }
0x46: {  	_ =	shalt  }
0x47: {  	_ =	shalt  }
0x48: {  	_ =	shalt  }
0x49: {  	_ =	shalt  }
0x4a: {  	_ =	shalt  }
0x4b: {  	_ =	shalt  }
0x4c: {  	_ =	shalt  }
0x4d: {  	_ =	shalt  }
0x4e: {  	_ =	shalt  }
0x4f: {  	_ =	shalt  }
0x50: {  	_ =	shalt  }
0x51: {  	_ =	shalt  }
0x52: {  	_ =	shalt  }
0x53: {  	_ =	shalt  }
0x54: {  	_ =	shalt  }
0x55: {  	_ =	shalt  }
0x56: {  	_ =	shalt  }
0x57: {  	_ =	shalt  }
0x58: {  	_ =	shalt  }
0x59: {  	_ =	shalt  }
0x5a: {  	_ =	shalt  }
0x5b: {  	_ =	shalt  }
0x5c: {  	_ =	shalt  }
0x5d: {  	_ =	shalt  }
0x5e: {  	_ =	shalt  }
0x5f: {  	_ =	shalt  }
0x60: {  	_ =	shalt  }
0x61: {  	_ =	shalt  }
0x62: {  	_ =	shalt  }
0x63: {  	_ =	shalt  }
0x64: {  	_ =	shalt  }
0x65: {  	_ =	shalt  }
0x66: {  	_ =	shalt  }
0x67: {  	_ =	shalt  }
0x68: {  	_ =	shalt  }
0x69: {  	_ =	shalt  }
0x6a: {  	_ =	shalt  }
0x6b: {  	_ =	shalt  }
0x6c: {  	_ =	shalt  }
0x6d: {  	_ =	shalt  }
0x6e: {  	_ =	shalt  }
0x6f: {  	_ =	shalt  }
0x70: {  	_ =	shalt  }
0x71: {  	_ =	shalt  }
0x72: {  	_ =	shalt  }
0x73: {  	_ =	shalt  }
0x74: {  	_ =	shalt  }
0x75: {  	_ =	shalt  }
0x76: {  	_ =	shalt  }
0x77: {  	_ =	shalt  }
0x78: {  	_ =	shalt  }
0x79: {  	_ =	shalt  }
0x7a: {  	_ =	shalt  }
0x7b: {  	_ =	shalt  }
0x7c: {  	_ =	shalt  }
0x7d: {  	_ =	shalt  }
0x7e: {  	_ =	shalt  }
0x7f: {  	_ =	shalt  }
0x80: {  	_ =	shalt  }
0x81: {  	_ =	shalt  }
0x82: {  	_ =	shalt  }
0x83: {  	_ =	shalt  }
0x84: {  	_ =	shalt  }
0x85: {  	_ =	shalt  }
0x86: {  	_ =	shalt  }
0x87: {  	_ =	shalt  }
.Lfunc_end0:
.L_simem_size_0:
called_computation_lowered:
.L_overlay_start_0:
0x88: {  	s2 =	sld [smem:$0x3FD9]  }
0x89: {  	s3 =	sld [smem:$0x3FFE];
	_ =	sdelay $0x1  }
0x8a: {  	s1 =	srdreg.scid  }
0x8b: {  	s0 =	sand.u32 $0x1, s1  }
0x8c: {  	s18 =	sshll.u32 s0, $0xA;
	s2 =	sadd.s32 s3, s2  }
0x8d: {  	s2 =	sadd.s32 s2, s18  }
0x8e: {  	[smem:$0x3FC6] =	sst s2  }
0x8f: {  	_ = 	snop  }
0x90: {  	s2 =	sld [smem:$0x3FC9]  }
0x91: {  	s19 =	sld [smem:$0x3FC8]  }
0x92: {  	s4 =	sld [smem:$0x3FD0];
	(tm) =	ssettm $0x1  }
0x93: {  	s5 =	sld [smem:$0x3FFB];
	_ =	sdelay $0x3  }
0x94: {  	_ =	strace s5  }
0x95: {  	s5 =	sld [smem:$0x3FFC];
	_ =	sdelay $0x3  }
0x96: {  	_ =	strace s5  }
0x97: {  	s5 =	sld [smem:$0x3FFD];
	_ =	sdelay $0x3  }
0x98: {  	_ =	strace s5  }
0x99: {  	_ =	strace $0x8FFFFFFF  }
0x9a: {  	s20 =	sld [smem:$0x3FDB];
	_ =	sdelay $0x1  }
0x9b: {  	s6 =	simm.s32 $_scs_section_size  }
0x9c: {  	s7 =	simm.s32 $_size__tile_overlayer_lowered;
	s8 =	simm.s32 $_tile_overlayer_lowered  }
0x9d: {  	s23 =	simm.s32 $0x1BFF;
	s22 =	sshll.u32 s8, $0x1;
	s5 =	sadd.s32 s6, s20  }
0x9e: {  	s9 =	simm.s32 $0x0;
	s21 =	sshll.u32 s7, $0x1;
	s7 =	sadd.s32 s22, s5  }
0x9f: {  	[timem:s9], [sflag:s23] =	dma.local [hbm:s7], s21  }
0xa0: {  	_ =	swait.ge [sflag:s23], s21  }
0xa1: {  	s6 =	ssub.s32 $0x0, s21;
	[sflag:s23] =	ssyncset.done $0x0  }
0xa2: {  	[sflag:s23] =	ssyncadd.s32 s6;
	_ =	sdelay $0x1  }
0xa3: {  	s24 =	simm.s32 $0x1B8B  }
0xa4: {  	_ =	swait.ge [sflag:s24], $0x1  }
0xa5: {  	[sflag:s24] =	ssyncset.done $0x0  }
0xa6: {  	s25 =	simm.s32 $0x1B8E;
	[sflag:s24] =	ssyncadd.s32 $0xFFFFFFFF  }
0xa7: {  	s26 =	simm.s32 $execute0_lowered;
	[smem:$0x3FD2] =	sst s25  }
0xa8: {  	s6 =	sshll.u32 s26, $0x1;
	_ =	strace $0x80000046;
	[dreg:$0x1] =	wrdreg $0xFFFFFFFF  }
0xa9: {  	s28 =	simm.s32 $_size_execute0_lowered;
	s5 =	sadd.s32 s5, s6;
	[dreg:$0x0] =	wrdreg $0x0  }
0xaa: {  	s6 =	sshll.u32 s28, $0x1;
	[dreg:$0x2] =	wrdreg s5  }
0xab: {  	[dreg:$0x3] =	wrdreg s6  }
0xac: {  	[dreg:$0x4] =	wrdreg $0xC0  }
0xad: {  	_ =	task [dreg:s9], $0x5FFFF  }
0xae: {  	[dreg:$0x1] =	wrdreg $0xFFFFFFFF  }
0xaf: {  	[dreg:$0x0] =	wrdreg $0x60  }
0xb0: {  	[dreg:$0x2] =	wrdreg s2  }
0xb1: {  	[dreg:$0x3] =	wrdreg s19  }
0xb2: {  	[dreg:$0x4] =	wrdreg s4  }
0xb3: {  	[dreg:$0x5] =	wrdreg $0x9  }
0xb4: {  	_ =	task.clear_ibuf [dreg:s9], $0x6FFFF;
	_ =	strace $0x90000046  }
0xb5: {  	s29 =	simm.s32 $0x9;
	_ =	strace $0x80000048  }
0xb6: {  	_ =	swait.ge [sflag:s29], $0x1  }
0xb7: {  	[sflag:s29] =	ssyncadd.s32 $0xFFFFFFFF  }
0xb8: {  	_ =	strace $0x90000048  }
0xb9: {  	_ =	sfence  }
0xba: {  	s30 =	sld [smem:$0x0];
	_ =	sdelay $0x2  }
0xbb: {  	s31 =	sshll.u32 s1, $0xD;
	s1 =	sshrl.u32 s1, $0x2  }
0xbc: {  	s3 =	sand.u32 $0x4000, s31;
	s1 =	sadd.s32 s1, s30  }
0xbd: {  	s0 =	sor.u32 s3, s0;
	s1 =	sshll.u32 s1, $0x11  }
0xbe: {  	s0 =	sor.u32 s1, s0  }
0xbf: {  	s0 =	sadd.s32 $0x8F2B, s0  }
0xc0: {  	[sflag:s0] =	ssyncadd.remote.s32 $0x1  }
0xc1: {  	_ =	sfence.sel $0xFFFF  }
0xc2: {  	[dreg:$0x0] =	wrdreg $0xFFFFFFFF;
	(pc) =	sbr.abs _section_cstart, $3  }
0xc3: {  	[dreg:$0x1] =	wrdreg $0xFFFFFFFF  }
0xc4: {  	_ =	task.clear_ibuf [dreg:s9], $0x2FFFF;
	_ =	strace $0x9FFFFFFF  }
0xc5: {  	(tm) =	ssettm $0x7FFFFFFF  }
tec
execute0_lowered:
.L_overlay_start_1:
0x0: {  	(tag) =	ssettag $0x1  }
0x1: {  	s3 =	rddreg [dreg:$0x0]  }
0x2: {  	s4 =	rddreg [dreg:$0x2];
	s0 =	srdreg.scid  }
0x3: {  	s1 =	stileid.u32;
	s5 =	simm.s32 $0x0;
	s18 =	simm.s32 $0x200  }
0x4: {  	s19 =	simm.s32 $0x400;
	s0 =	sand.u32 $0x1, s0;
	s1 =	sshll.u32 s1, $0x12  }
0x5: {  	[smem:$0x7FF] =	sst s5;
	s26 =	sadd.s32 $0x40, s4;
	s29 =	sadd.s32 $0x800, s4  }
0x6: {  	s2 =	sshll.u32 s0, $0x11;
	_ =	strace $0x80000047;
	[dreg:$0xa] =	wrdreg s26  }
0x7: {  	s20 =	simm.s32 $0x800;
	[dreg:$0xc] =	wrdreg s29;
	s2 =	sor.u32 s2, s1  }
0x8: {  	s30 =	simm.s32 $0x3;
	[dreg:$0x4] =	wrdreg s2;
	s24 =	sor.u32 $0x840, s2  }
0x9: {  	s0 =	ssub.s32 $0x2, s0;
	s3 =	sadd.s32 s3, s2;
	[dreg:$0x8] =	wrdreg s24  }
0xa: {  	s26 =	simm.s32 $0x2;
	s22 =	sadd.s32 $0x40, s3;
	[dreg:$0x5] =	wrdreg s3  }
0xb: {  	s21 =	sshrl.u32 s0, $0x1;
	s23 =	sadd.s32 $0x800, s3;
	[dreg:$0x6] =	wrdreg s22  }
0xc: {  	s0 =	ssub.s32 s0, s21;
	s25 =	sadd.s32 $0x1000, s3;
	[dreg:$0x7] =	wrdreg s23  }
0xd: {  	s21 =	simm.s32 $0x2800;
	s28 =	sadd.s32 $0x1040, s3;
	[dreg:$0x9] =	wrdreg s25  }
0xe: {  	s2 =	simm.s32 $0x4;
	s31 =	sadd.s32 $0x1800, s3;
	[dreg:$0xb] =	wrdreg s28  }
0xf: {  	s0 =	smax.u32 s0, $0x1;
	s3 =	simm.s32 $0x0;
	[dreg:$0xd] =	wrdreg s31  }
0x10: {  	[dreg:$0xe] =	wrdreg s0;
	s22 =	simm.s32 $0x4800;
	s23 =	simm.s32 $0x6800  }
.LBB2_1:
0x11: {  	[dreg:$0xf] =	wrdreg s3  }
0x12: {  	s0 =	rddreg [dreg:$0x1];
	s1 =	simm.s32 $0x0;
	s25 =	simm.s32 $0x9  }
0x13: {  	[tilespmem:s1], [sflag:$0x9] =	stream.linear.gather [hbm4b:s0+s1], $0x800, $0x38;
	[tilespmem:$0x10800] =	vst v63  }
0x14: {  	_ =	swait.ge [sflag:s25], $0x800  }
0x15: {  	[sflag:s25] =	ssyncset.done $0x0  }
0x16: {  	s28 =	rddreg [dreg:$0x5];
	[sflag:s25] =	ssyncadd.s32 $0xFFFFF800  }
0x17: {  	[tilespmem:s20], [sflag:$0x1] =	stream.strided.gather [hbm4b:s28+s18], $0x2000, s19, s18, $0x38;
	[tilespmem:$0x10800] =	vst v63  }
0x18: {  	s29 =	rddreg [dreg:$0x6]  }
0x19: {  	[tilespmem:s21], [sflag:$0x2] =	stream.strided.gather [hbm4b:s29+s18], $0x2000, s19, s18, $0x38;
	[tilespmem:$0x10800] =	vst v63  }
0x1a: {  	s16 =	simm.s32 $0x0;
	s31 =	rddreg [dreg:$0x7]  }
0x1b: {  	[tilespmem:s22], [sflag:$0x3] =	stream.strided.gather [hbm4b:s31+s18], $0x2000, s19, s18, $0x38;
	[tilespmem:$0x10800] =	vst v63  }
.LBB2_2:
0x1c: {  	s17 =	sshll.u32 s16, $0xC;
	s0 =	rddreg [dreg:$0x8]  }
0x1d: {  	s14 =	rddreg [dreg:$0x0];
	s7 =	sadd.s32 s0, s17  }
0x1e: {  	s15 =	simm.s32 $0x1;
	s0 =	sadd.s32 s14, s7  }
0x1f: {  	[tilespmem:s23], [sflag:$0x4] =	stream.strided.gather [hbm4b:s0+s18], $0x2000, s19, s18, $0x38;
	[tilespmem:$0x10800] =	vst v63  }
0x20: {  	_ =	swait.ge [sflag:s15], $0x2000  }
0x21: {  	p0 =	seq.s32 s16, $0x0;
	[sflag:s15] =	ssyncset.done $0x0  }
0x22: {  	s1 =	simm.s32 $0x0;
	s0 =	simm.s32 @!p0 $0x5;
	[sflag:s15] =	ssyncadd.s32 $0xFFFFE000  }
0x23: {  	s5 =	sand.u32 $0x60, s1;
	_ =	swait.ge @!p0 [sflag:s0], $0x2000  }
0x24: {  	s4 =	sand.u32 $0x780, s1;
	s10 =	sor.u32 $0x10, s5;
	[sflag:s0] =	ssyncset.done @!p0 $0x0  }
0x25: {  	s24 =	sor.u32 s10, s4;
	[sflag:s0] =	ssyncadd.s32 @!p0 $0xFFFFE000  }
0x26: {  	v0 =	vld [tilespmem:s24+$0x0]  }
0x27: {  	s25 =	simm.s32 $0x20  }
0x28: {  	s4 =	sand.u32 $0x60, s25  }
0x29: {  	s6 =	sor.u32 $0x10, s4;
	s0 =	sand.u32 $0x780, s25  }
0x2a: {  	s0 =	sor.u32 s6, s0  }
0x2b: {  	v2 =	vld [tilespmem:s0+$0x0];
	v1 =	vshll.u32 v0, $0x2  }
0x2c: {  	v0 =	vand.u32 $0x7F, v0;
	v1 =	vand.u32 $0xFFFFFE00, v1  }
0x2d: {  	v0 =	vor.u32 v0, v1;
	_ =	sdelay $0x1  }
0x2e: {  	s28 =	simm.s32 $0x0;
	s8 =	simm.s32 $0x40;
	s13 =	simm.s32 $0x60;
	v1 =	vor.u32 $0x80, v0  }
0x2f: {  	s9 =	sand.u32 $0x60, s8;
	s11 =	sand.u32 $0x1E00, s1;
	s1 =	sand.u32 $0x3, s1;
	v4 =	vshll.u32 v2, $0x2  }
0x30: {  	s8 =	sand.u32 $0x780, s8;
	s1 =	sshll.u32 s1, $0x5;
	v5 =	vld [tilespmem:s28+$0x0];
	s0 =	sor.u32 $0x10, s9;
	v2 =	vand.u32 $0x7F, v2;
	v4 =	vand.u32 $0xFFFFFE00, v4;
	v3 =	vor.u32 $0x100, v0  }
0x31: {  	s14 =	sadd.s32 $0x0, s1;
	s1 =	sand.u32 $0x60, s13;
	s8 =	sor.u32 s0, s8;
	v6 =	vor.u32 $0x180, v0;
	v7 =	vld.idx.msk [tilespmem:v0+s20+$0x0], $0xffff;
	v0 =	vor.u32 v2, v4  }
0x32: {  	s12 =	sadd.s32 $0x8800, s11;
	s13 =	sand.u32 $0x780, s13;
	s11 =	sor.u32 $0x10, s1;
	v8 =	vld [tilespmem:s8+$0x0]  }
0x33: {  	s13 =	sor.u32 s11, s13;
	v2 =	vld.idx.msk [tilespmem:v1+s20+$0x0], $0xffff;
	v1 =	vor.u32 $0x80, v0  }
0x34: {  	v15 =	vld [tilespmem:s13+$0x0];
	v4 =	vor.u32 $0x100, v0  }
0x35: {  	v10 =	vshll.u32 v5, $0x2;
	v3 =	vld.idx.msk [tilespmem:v3+s20+$0x0], $0xffff  }
0x36: {  	s31 =	simm.s32 $0x20;
	v5 =	vand.u32 $0x7F, v5;
	v10 =	vand.u32 $0xFFFFFE00, v10;
	v9 =	vor.u32 $0x180, v0;
	v11 =	vld.idx.msk [tilespmem:v0+s20+$0x0], $0xffff  }
0x37: {  	v10 =	vor.u32 v5, v10;
	v5 =	vand.u32 $0x7F, v8;
	v0 =	vshll.u32 v8, $0x2;
	v8 =	vld [tilespmem:s31+$0x0]  }
0x38: {  	v12 =	vld.idx.msk [tilespmem:v1+s20+$0x0], $0xffff;
	v1 =	vor.u32 $0x80, v10  }
0x39: {  	v13 =	vld.idx.msk [tilespmem:v4+s20+$0x0], $0xffff;
	v4 =	vor.u32 $0x100, v10;
	v0 =	vand.u32 $0xFFFFFE00, v0  }
0x3a: {  	v6 =	vld.idx.msk [tilespmem:v6+s20+$0x0], $0xffff;
	v5 =	vor.u32 v5, v0  }
0x3b: {  	s29 =	simm.s32 $0x80;
	s10 =	sor.u32 s10, s12;
	s15 =	sadd.s32 $0x10, s14;
	v9 =	vld.idx.msk [tilespmem:v9+s20+$0x0], $0xffff;
	v14 =	vor.u32 $0x80, v5  }
0x3c: {  	s15 =	sor.u32 $0x180, s15;
	s3 =	rddreg [dreg:$0x4];
	s28 =	simm.s32 $0x1;
	[tilespmem:s10+$0x0] =	vst v7;
	v0 =	vld.idx.msk [tilespmem:v10+s20+$0x0], $0xffff;
	v7 =	vor.u32 $0x100, v5  }
0x3d: {  	s28 =	sand.u32 $0x3, s28;
	s8 =	sor.u32 s3, s17;
	s3 =	sand.u32 $0x1E00, s29;
	[tilespmem:s10+$0x80] =	vst v2;
	v16 =	vor.u32 $0x180, v5;
	v1 =	vld.idx.msk [tilespmem:v1+s20+$0x0], $0xffff  }
0x3e: {  	s25 =	sor.u32 $0x180, s14;
	s24 =	sshll.u32 s28, $0x5;
	s14 =	sadd.s32 $0x8800, s3;
	[tilespmem:s10+$0x100] =	vst v3;
	v3 =	vshll.u32 v8, $0x2;
	v2 =	vld.idx.msk [tilespmem:v4+s20+$0x0], $0xffff  }
0x3f: {  	s29 =	sor.u32 s5, s12;
	s5 =	simm.s32 $0x2;
	s28 =	sor.u32 s6, s14;
	[tilespmem:s15+$0x8800] =	vst v6;
	v6 =	vand.u32 $0x7F, v8;
	v8 =	vand.u32 $0xFFFFFE00, v3;
	v3 =	vor.u32 $0x180, v10;
	v4 =	vld.idx.msk [tilespmem:v5+s20+$0x0], $0xffff  }
0x40: {  	s6 =	simm.s32 $0x6;
	s31 =	sadd.s32 $0x80, s24;
	s24 =	simm.s32 $0x40;
	[tilespmem:s28+$0x0] =	vst v11;
	v11 =	vor.u32 v6, v8;
	v5 =	vld.idx.msk [tilespmem:v14+s20+$0x0], $0xffff  }
0x41: {  	s3 =	sadd.s32 $0x10, s31;
	s15 =	sor.u32 s4, s14;
	s4 =	simm.s32 $0x100;
	[tilespmem:s28+$0x80] =	vst v12;
	v6 =	vld.idx.msk [tilespmem:v7+s20+$0x0], $0xffff;
	v10 =	vor.u32 $0x80, v11  }
0x42: {  	s13 =	sor.u32 $0x180, s31;
	s12 =	sor.u32 $0x180, s3;
	s31 =	sand.u32 $0x1E00, s4;
	[tilespmem:s28+$0x100] =	vst v13;
	v12 =	vshll.u32 v15, $0x2;
	v13 =	vand.u32 $0x7F, v15;
	v8 =	vld.idx.msk [tilespmem:v16+s20+$0x0], $0xffff  }
0x43: {  	s14 =	sand.u32 $0x3, s5;
	s10 =	sadd.s32 $0x8800, s31;
	[tilespmem:s12+$0x8800] =	vst v9;
	s12 =	simm.s32 $0x80;
	v7 =	vor.u32 $0x100, v11;
	v9 =	vor.u32 $0x180, v11;
	v14 =	vand.u32 $0xFFFFFE00, v12;
	v12 =	vld [tilespmem:s24+$0x0]  }
.LBB2_3:
0x44: {  	s28 =	sand.u32 $0x60, s12;
	v13 =	vor.u32 v13, v14;
	s14 =	sshll.u32 s14, $0x5;
	s0 =	sor.u32 s0, s10;
	v14 =	vld.idx.msk [tilespmem:v3+s20+$0x0], $0xffff;
	[tilespmem:s29+$0x80] =	vst v1;
	v15 =	vmov v2;
	v3 =	vmov v9  }
0x45: {  	s3 =	sand.u32 $0x780, s12;
	s31 =	sor.u32 $0x10, s28;
	v9 =	vor.u32 $0x80, v13;
	s14 =	sadd.s32 s14, s4;
	[tilespmem:s0+$0x0] =	vst v4;
	v16 =	vld.idx.msk [tilespmem:v11+s20+$0x0], $0xffff  }
0x46: {  	s6 =	sadd.s32 $0x2, s6;
	v17 =	vor.u32 $0x100, v13;
	s3 =	sor.u32 s31, s3;
	[tilespmem:s0+$0x80] =	vst v5;
	s24 =	sadd.s32 $0x10, s14;
	v1 =	vld.idx.msk [tilespmem:v10+s20+$0x0], $0xffff  }
0x47: {  	p1 =	slt.u32 s6, $0x7E;
	v19 =	vor.u32 $0x180, v13;
	v18 =	vld [tilespmem:s3+$0x0];
	s3 =	sor.u32 $0x180, s14;
	[tilespmem:s0+$0x100] =	vst v6;
	s0 =	sor.u32 $0x180, s24  }
0x48: {  	s10 =	sor.u32 s9, s10;
	s9 =	smov.u32 s1;
	s1 =	smov.u32 s28;
	v6 =	vand.u32 $0x7F, v12;
	v5 =	vshll.u32 v12, $0x2;
	[tilespmem:s0+$0x8800] =	vst v8;
	v2 =	vld.idx.msk [tilespmem:v7+s20+$0x0], $0xffff  }
.Ltmp0:
0x49: {  	s0 =	smov.u32 s11;
	s11 =	smov.u32 s31;
	v4 =	vld.idx.msk [tilespmem:v13+s20+$0x0], $0xffff;
	v7 =	vand.u32 $0xFFFFFE00, v5;
	[tilespmem:s29+$0x100] =	vst v15;
	(pc) =	sbr.rel @p1 .LBB2_3-.Ltmp0, $4  }
0x4a: {  	v5 =	vld.idx.msk [tilespmem:v9+s20+$0x0], $0xffff;
	v11 =	vor.u32 v6, v7;
	[tilespmem:s29+$0x0] =	vst v0;
	s29 =	smov.u32 s15;
	s15 =	smov.u32 s10  }
0x4b: {  	s4 =	sadd.s32 $0x80, s4;
	v0 =	vmovc v16;
	v6 =	vld.idx.msk [tilespmem:v17+s20+$0x0], $0xffff;
	v10 =	vor.u32 $0x80, v11;
	v7 =	vor.u32 $0x100, v11;
	v9 =	vor.u32 $0x180, v11;
	[tilespmem:s25+$0x8800] =	vst v14;
	s25 =	smov.u32 s13;
	s13 =	smov.u32 s3  }
0x4c: {  	s5 =	sadd.s32 $0x1, s5;
	s10 =	sand.u32 $0x1E00, s4;
	s3 =	sshra.s32 s4, $0x2;
	v12 =	vshll.u32 v18, $0x2;
	v8 =	vld.idx.msk [tilespmem:v19+s20+$0x0], $0xffff  }
0x4d: {  	s12 =	sadd.s32 $0x20, s12;
	s14 =	sand.u32 $0x3, s5;
	s10 =	sadd.s32 $0x8800, s10;
	v13 =	vand.u32 $0x7F, v18;
	v14 =	vand.u32 $0xFFFFFE00, v12;
	v12 =	vld [tilespmem:s3+$0x0]  }
0x4e: {  	_ =	sdelay $0x3  }
0x4f: {  	v3 =	vld.idx.msk [tilespmem:v3+s20+$0x0], $0xffff;
	[tilespmem:s29+$0x80] =	vst v1  }
0x50: {  	s3 =	sadd.s32 $0x80, s4;
	[tilespmem:s29+$0x100] =	vst v2  }
0x51: {  	v13 =	vor.u32 v13, v14;
	s6 =	sshll.u32 s14, $0x5;
	s0 =	sor.u32 s0, s10;
	v10 =	vld.idx.msk [tilespmem:v10+s20+$0x0], $0xffff;
	[tilespmem:s29+$0x0] =	vst v0;
	s12 =	sshra.s32 s3, $0x2  }
0x52: {  	v14 =	vor.u32 $0x80, v13;
	s31 =	sadd.s32 s6, s4;
	[tilespmem:s0+$0x0] =	vst v4;
	v15 =	vld [tilespmem:s12+$0x0]  }
0x53: {  	v44 =	vld.idx.msk [tilespmem:v7+s20+$0x0], $0xffff;
	v42 =	vor.u32 $0x100, v13;
	[tilespmem:s0+$0x80] =	vst v5;
	s6 =	sadd.s32 $0x10, s31;
	v45 =	vshll.u32 v12, $0x2  }
0x54: {  	v11 =	vld.idx.msk [tilespmem:v11+s20+$0x0], $0xffff;
	v43 =	vor.u32 $0x180, v13;
	[tilespmem:s0+$0x100] =	vst v6;
	s12 =	sor.u32 $0x180, s6;
	v47 =	vand.u32 $0x7F, v12;
	v6 =	vand.u32 $0xFFFFFE00, v45  }
0x55: {  	v51 =	vld.idx.msk [tilespmem:v9+s20+$0x0], $0xffff;
	[tilespmem:s12+$0x8800] =	vst v8;
	v49 =	vor.u32 v47, v6  }
0x56: {  	v46 =	vld.idx.msk [tilespmem:v13+s20+$0x0], $0xffff;
	[tilespmem:s25+$0x8800] =	vst v3;
	v50 =	vor.u32 $0x80, v49  }
0x57: {  	[tilespmem:s15+$0x80] =	vst v10;
	v48 =	vld.idx.msk [tilespmem:v14+s20+$0x0], $0xffff;
	v6 =	vor.u32 $0x100, v49;
	v52 =	vshll.u32 v15, $0x2  }
0x58: {  	s5 =	sadd.s32 $0x1, s5;
	s14 =	sand.u32 $0x1E00, s3;
	[tilespmem:s15+$0x100] =	vst v44;
	v1 =	vld.idx.msk [tilespmem:v42+s20+$0x0], $0xffff;
	v53 =	vand.u32 $0x7F, v15;
	v12 =	vor.u32 $0x180, v49;
	v9 =	vand.u32 $0xFFFFFE00, v52  }
0x59: {  	s5 =	sand.u32 $0x3, s5;
	s0 =	sadd.s32 $0x8800, s14;
	[tilespmem:s15+$0x0] =	vst v11;
	v4 =	vld.idx.msk [tilespmem:v43+s20+$0x0], $0xffff;
	v54 =	vor.u32 v53, v9  }
0x5a: {  	s5 =	sshll.u32 s5, $0x5;
	s24 =	sor.u32 s11, s0;
	[tilespmem:s13+$0x8800] =	vst v51;
	v55 =	vor.u32 $0x80, v54;
	v2 =	vld.idx.msk [tilespmem:v49+s20+$0x0], $0xffff  }
0x5b: {  	s3 =	sadd.s32 s5, s3;
	[tilespmem:s24+$0x0] =	vst v46;
	v56 =	vor.u32 $0x100, v54;
	v0 =	vld.idx.msk [tilespmem:v50+s20+$0x0], $0xffff  }
0x5c: {  	s5 =	sadd.s32 $0x10, s3;
	v58 =	vor.u32 $0x180, v54;
	[tilespmem:s24+$0x80] =	vst v48;
	v57 =	vld.idx.msk [tilespmem:v6+s20+$0x0], $0xffff  }
0x5d: {  	s5 =	sor.u32 $0x180, s5;
	[tilespmem:s24+$0x100] =	vst v1;
	v59 =	vld.idx.msk [tilespmem:v12+s20+$0x0], $0xffff  }
0x5e: {  	s25 =	sor.u32 s9, s10;
	[tilespmem:s5+$0x8800] =	vst v4;
	v62 =	vld.idx.msk [tilespmem:v54+s20+$0x0], $0xffff  }
0x5f: {  	v60 =	vld.idx.msk [tilespmem:v55+s20+$0x0], $0xffff;
	[tilespmem:s25+$0x0] =	vst v2  }
0x60: {  	v61 =	vld.idx.msk [tilespmem:v56+s20+$0x0], $0xffff;
	[tilespmem:s25+$0x80] =	vst v0  }
0x61: {  	s4 =	sor.u32 $0x180, s31;
	v63 =	vld.idx.msk [tilespmem:v58+s20+$0x0], $0xffff;
	[tilespmem:s25+$0x100] =	vst v57  }
0x62: {  	p1 =	sne.s32 s16, $0x1F;
	s0 =	sor.u32 s1, s0;
	[tilespmem:s4+$0x8800] =	vst v59  }
.Ltmp1:
0x63: {  	[tilespmem:s0+$0x0] =	vst v62;
	(pc) =	sbr.rel @p1 .LBB2_6-.Ltmp1, $4  }
0x64: {  	[tilespmem:s0+$0x80] =	vst v60  }
0x65: {  	s29 =	rddreg [dreg:$0x2];
	s28 =	sor.u32 $0x180, s3;
	[tilespmem:s0+$0x100] =	vst v61  }
0x66: {  	s31 =	simm.s32 $0x8800;
	s0 =	sadd.s32 s29, s8;
	[tilespmem:s28+$0x8800] =	vst v63  }
0x67: {  	[hbm4b:s0+s18] =	stream.strided.scatter [tilespmem:s31], [sflag:$0x5], $0x2000, s19, s18, $0x38;
	[tilespmem:$0x10800] =	vst v63  }
.Ltmp2:
0x68: {  	(pc) =	sbr.rel .LBB2_7-.Ltmp2, $4  }
0x69: {  	_ = 	snop  }
0x6a: {  	_ =	swait.ge [sflag:s26], $0x2000  }
0x6b: {  	[sflag:s26] =	ssyncset.done $0x0  }
0x6c: {  	[sflag:s26] =	ssyncadd.s32 $0xFFFFE000  }
.LBB2_6:
0x6d: {  	s0 =	rddreg [dreg:$0x9]  }
.Ltmp3:
0x6e: {  	s0 =	sadd.s32 s17, s0;
	(pc) =	sbr.rel @p0 .LBB2_8-.Ltmp3, $4  }
0x6f: {  	[tilespmem:s20], [sflag:$0x1] =	stream.strided.gather [hbm4b:s0+s18], $0x2000, s19, s18, $0x38;
	[tilespmem:$0x10800] =	vst v63  }
0x70: {  	_ =	swait.ge [sflag:s26], $0x2000  }
0x71: {  	[sflag:s26] =	ssyncset.done $0x0  }
0x72: {  	[sflag:s26] =	ssyncadd.s32 $0xFFFFE000  }
.LBB2_7:
0x73: {  	s0 =	simm.s32 $0x6  }
0x74: {  	_ =	swait.ge [sflag:s0], $0x2000  }
0x75: {  	[sflag:s0] =	ssyncset.done $0x0  }
0x76: {  	[sflag:s0] =	ssyncadd.s32 $0xFFFFE000  }
.LBB2_8:
0x77: {  	s1 =	simm.s32 $0x0  }
0x78: {  	s5 =	sand.u32 $0x60, s1  }
0x79: {  	s0 =	sand.u32 $0x780, s1;
	s3 =	sor.u32 $0x10, s5  }
0x7a: {  	s0 =	sor.u32 s3, s0  }
0x7b: {  	v0 =	vld [tilespmem:s0+$0x0]  }
0x7c: {  	s15 =	simm.s32 $0x20  }
0x7d: {  	s4 =	sand.u32 $0x60, s15  }
0x7e: {  	s6 =	sor.u32 $0x10, s4;
	s0 =	sand.u32 $0x780, s15  }
0x7f: {  	s0 =	sor.u32 s6, s0  }
0x80: {  	v2 =	vld [tilespmem:s0+$0x0];
	v1 =	vshll.u32 v0, $0x2  }
0x81: {  	v0 =	vand.u32 $0x7F, v0;
	v1 =	vand.u32 $0xFFFFFE00, v1  }
0x82: {  	v0 =	vor.u32 v0, v1;
	_ =	sdelay $0x1  }
0x83: {  	s24 =	simm.s32 $0x0;
	s10 =	simm.s32 $0x40;
	v1 =	vor.u32 $0x80, v0  }
0x84: {  	v5 =	vld [tilespmem:s24+$0x0];
	s9 =	sand.u32 $0x60, s10;
	v4 =	vshll.u32 v2, $0x2;
	v3 =	vor.u32 $0x100, v0  }
0x85: {  	s10 =	sand.u32 $0x780, s10;
	s0 =	sor.u32 $0x10, s9;
	v2 =	vand.u32 $0x7F, v2;
	v6 =	vor.u32 $0x180, v0;
	v4 =	vand.u32 $0xFFFFFE00, v4  }
0x86: {  	s10 =	sor.u32 s0, s10;
	v7 =	vld.idx.msk [tilespmem:v0+s21+$0x0], $0xffff;
	v0 =	vor.u32 v2, v4  }
0x87: {  	v8 =	vld [tilespmem:s10+$0x0]  }
0x88: {  	v2 =	vld.idx.msk [tilespmem:v1+s21+$0x0], $0xffff;
	v1 =	vor.u32 $0x80, v0  }
0x89: {  	v10 =	vshll.u32 v5, $0x2;
	v4 =	vor.u32 $0x100, v0;
	v3 =	vld.idx.msk [tilespmem:v3+s21+$0x0], $0xffff  }
0x8a: {  	v5 =	vand.u32 $0x7F, v5;
	v10 =	vand.u32 $0xFFFFFE00, v10;
	v9 =	vor.u32 $0x180, v0;
	v6 =	vld.idx.msk [tilespmem:v6+s21+$0x0], $0xffff  }
0x8b: {  	s11 =	simm.s32 $0x20;
	v10 =	vor.u32 v5, v10;
	v11 =	vld.idx.msk [tilespmem:v0+s21+$0x0], $0xffff  }
0x8c: {  	s25 =	sand.u32 $0x1E00, s1;
	s1 =	sand.u32 $0x3, s1;
	v5 =	vand.u32 $0x7F, v8;
	v0 =	vshll.u32 v8, $0x2;
	v8 =	vld [tilespmem:s11+$0x0]  }
0x8d: {  	s12 =	simm.s32 $0x60;
	s1 =	sshll.u32 s1, $0x5;
	v12 =	vld.idx.msk [tilespmem:v1+s21+$0x0], $0xffff;
	v1 =	vor.u32 $0x80, v10  }
0x8e: {  	s13 =	sadd.s32 $0x0, s1;
	s1 =	sand.u32 $0x60, s12;
	v13 =	vld.idx.msk [tilespmem:v4+s21+$0x0], $0xffff;
	v4 =	vor.u32 $0x100, v10;
	v0 =	vand.u32 $0xFFFFFE00, v0  }
0x8f: {  	s12 =	sand.u32 $0x780, s12;
	s10 =	sadd.s32 $0xA800, s25;
	s11 =	sor.u32 $0x10, s1;
	v9 =	vld.idx.msk [tilespmem:v9+s21+$0x0], $0xffff;
	v5 =	vor.u32 v5, v0  }
0x90: {  	s24 =	simm.s32 $0x1;
	s3 =	sor.u32 s3, s10;
	s12 =	sor.u32 s11, s12;
	v0 =	vld.idx.msk [tilespmem:v10+s21+$0x0], $0xffff;
	v14 =	vor.u32 $0x80, v5  }
0x91: {  	s31 =	sand.u32 $0x3, s24;
	s15 =	simm.s32 $0x80;
	[tilespmem:s3+$0x0] =	vst v7;
	v15 =	vld [tilespmem:s12+$0x0];
	v7 =	vor.u32 $0x100, v5  }
0x92: {  	s31 =	sshll.u32 s31, $0x5;
	s14 =	sadd.s32 $0x10, s13;
	s28 =	sand.u32 $0x1E00, s15;
	[tilespmem:s3+$0x80] =	vst v2;
	v16 =	vor.u32 $0x180, v5;
	v1 =	vld.idx.msk [tilespmem:v1+s21+$0x0], $0xffff  }
0x93: {  	s24 =	sor.u32 $0x180, s14;
	s15 =	sadd.s32 $0x80, s31;
	s28 =	sadd.s32 $0xA800, s28;
	[tilespmem:s3+$0x100] =	vst v3;
	v3 =	vshll.u32 v8, $0x2;
	v2 =	vld.idx.msk [tilespmem:v4+s21+$0x0], $0xffff  }
0x94: {  	s14 =	sor.u32 s6, s28;
	s6 =	simm.s32 $0x6;
	s25 =	sor.u32 $0x180, s13;
	[tilespmem:s24+$0xA800] =	vst v6;
	v6 =	vand.u32 $0x7F, v8;
	v8 =	vand.u32 $0xFFFFFE00, v3;
	v3 =	vor.u32 $0x180, v10;
	v4 =	vld.idx.msk [tilespmem:v5+s21+$0x0], $0xffff  }
0x95: {  	s13 =	sor.u32 $0x180, s15;
	s29 =	sor.u32 s5, s10;
	s5 =	simm.s32 $0x2;
	[tilespmem:s14+$0x0] =	vst v11;
	v11 =	vor.u32 v6, v8;
	v5 =	vld.idx.msk [tilespmem:v14+s21+$0x0], $0xffff  }
0x96: {  	s24 =	sadd.s32 $0x10, s15;
	s15 =	sor.u32 s4, s28;
	s4 =	simm.s32 $0x100;
	[tilespmem:s14+$0x80] =	vst v12;
	v6 =	vld.idx.msk [tilespmem:v7+s21+$0x0], $0xffff;
	v10 =	vor.u32 $0x80, v11  }
0x97: {  	s28 =	simm.s32 $0x40;
	s10 =	sor.u32 $0x180, s24;
	s31 =	sand.u32 $0x1E00, s4;
	[tilespmem:s14+$0x100] =	vst v13;
	v12 =	vshll.u32 v15, $0x2;
	v13 =	vand.u32 $0x7F, v15;
	v8 =	vld.idx.msk [tilespmem:v16+s21+$0x0], $0xffff  }
0x98: {  	s12 =	simm.s32 $0x80;
	s14 =	sand.u32 $0x3, s5;
	[tilespmem:s10+$0xA800] =	vst v9;
	s10 =	sadd.s32 $0xA800, s31;
	v7 =	vor.u32 $0x100, v11;
	v9 =	vor.u32 $0x180, v11;
	v14 =	vand.u32 $0xFFFFFE00, v12;
	v12 =	vld [tilespmem:s28+$0x0]  }
.LBB2_9:
0x99: {  	s3 =	sand.u32 $0x60, s12;
	v13 =	vor.u32 v13, v14;
	s14 =	sshll.u32 s14, $0x5;
	s0 =	sor.u32 s0, s10;
	v14 =	vld.idx.msk [tilespmem:v3+s21+$0x0], $0xffff;
	[tilespmem:s29+$0x80] =	vst v1;
	v15 =	vmov v2;
	v3 =	vmov v9  }
0x9a: {  	s28 =	sand.u32 $0x780, s12;
	s24 =	sor.u32 $0x10, s3;
	v9 =	vor.u32 $0x80, v13;
	s14 =	sadd.s32 s14, s4;
	[tilespmem:s0+$0x0] =	vst v4;
	v16 =	vld.idx.msk [tilespmem:v11+s21+$0x0], $0xffff  }
0x9b: {  	s6 =	sadd.s32 $0x2, s6;
	v17 =	vor.u32 $0x100, v13;
	s28 =	sor.u32 s24, s28;
	[tilespmem:s0+$0x80] =	vst v5;
	s31 =	sadd.s32 $0x10, s14;
	v1 =	vld.idx.msk [tilespmem:v10+s21+$0x0], $0xffff  }
0x9c: {  	p2 =	slt.u32 s6, $0x7E;
	v19 =	vor.u32 $0x180, v13;
	s14 =	sor.u32 $0x180, s14;
	v18 =	vld [tilespmem:s28+$0x0];
	[tilespmem:s0+$0x100] =	vst v6;
	s0 =	sor.u32 $0x180, s31  }
0x9d: {  	s10 =	sor.u32 s9, s10;
	s9 =	smov.u32 s1;
	s1 =	smov.u32 s3;
	v6 =	vand.u32 $0x7F, v12;
	v5 =	vshll.u32 v12, $0x2;
	[tilespmem:s0+$0xA800] =	vst v8;
	v2 =	vld.idx.msk [tilespmem:v7+s21+$0x0], $0xffff  }
.Ltmp4:
0x9e: {  	s0 =	smov.u32 s11;
	s11 =	smov.u32 s24;
	v4 =	vld.idx.msk [tilespmem:v13+s21+$0x0], $0xffff;
	v7 =	vand.u32 $0xFFFFFE00, v5;
	[tilespmem:s29+$0x100] =	vst v15;
	(pc) =	sbr.rel @p2 .LBB2_9-.Ltmp4, $4  }
0x9f: {  	v5 =	vld.idx.msk [tilespmem:v9+s21+$0x0], $0xffff;
	v11 =	vor.u32 v6, v7;
	[tilespmem:s29+$0x0] =	vst v0;
	s29 =	smov.u32 s15;
	s15 =	smov.u32 s10  }
0xa0: {  	s4 =	sadd.s32 $0x80, s4;
	v0 =	vmovc v16;
	v6 =	vld.idx.msk [tilespmem:v17+s21+$0x0], $0xffff;
	v10 =	vor.u32 $0x80, v11;
	v7 =	vor.u32 $0x100, v11;
	v9 =	vor.u32 $0x180, v11;
	[tilespmem:s25+$0xA800] =	vst v14;
	s25 =	smov.u32 s13;
	s13 =	smov.u32 s14  }
0xa1: {  	s5 =	sadd.s32 $0x1, s5;
	s3 =	sshra.s32 s4, $0x2;
	s10 =	sand.u32 $0x1E00, s4;
	v12 =	vshll.u32 v18, $0x2;
	v8 =	vld.idx.msk [tilespmem:v19+s21+$0x0], $0xffff  }
0xa2: {  	s12 =	sadd.s32 $0x20, s12;
	s14 =	sand.u32 $0x3, s5;
	s10 =	sadd.s32 $0xA800, s10;
	v13 =	vand.u32 $0x7F, v18;
	v14 =	vand.u32 $0xFFFFFE00, v12;
	v12 =	vld [tilespmem:s3+$0x0]  }
0xa3: {  	_ =	sdelay $0x3  }
0xa4: {  	v3 =	vld.idx.msk [tilespmem:v3+s21+$0x0], $0xffff;
	[tilespmem:s29+$0x80] =	vst v1  }
0xa5: {  	s3 =	sadd.s32 $0x80, s4;
	[tilespmem:s29+$0x100] =	vst v2  }
0xa6: {  	v13 =	vor.u32 v13, v14;
	s6 =	sshll.u32 s14, $0x5;
	s0 =	sor.u32 s0, s10;
	v10 =	vld.idx.msk [tilespmem:v10+s21+$0x0], $0xffff;
	[tilespmem:s29+$0x0] =	vst v0;
	s12 =	sshra.s32 s3, $0x2  }
0xa7: {  	v14 =	vor.u32 $0x80, v13;
	s31 =	sadd.s32 s6, s4;
	[tilespmem:s0+$0x0] =	vst v4;
	v15 =	vld [tilespmem:s12+$0x0]  }
0xa8: {  	v44 =	vld.idx.msk [tilespmem:v7+s21+$0x0], $0xffff;
	v42 =	vor.u32 $0x100, v13;
	[tilespmem:s0+$0x80] =	vst v5;
	s6 =	sadd.s32 $0x10, s31;
	v45 =	vshll.u32 v12, $0x2  }
0xa9: {  	v11 =	vld.idx.msk [tilespmem:v11+s21+$0x0], $0xffff;
	v43 =	vor.u32 $0x180, v13;
	[tilespmem:s0+$0x100] =	vst v6;
	s14 =	sor.u32 $0x180, s6;
	v47 =	vand.u32 $0x7F, v12;
	v6 =	vand.u32 $0xFFFFFE00, v45  }
0xaa: {  	v51 =	vld.idx.msk [tilespmem:v9+s21+$0x0], $0xffff;
	[tilespmem:s14+$0xA800] =	vst v8;
	v49 =	vor.u32 v47, v6  }
0xab: {  	v46 =	vld.idx.msk [tilespmem:v13+s21+$0x0], $0xffff;
	[tilespmem:s25+$0xA800] =	vst v3;
	v50 =	vor.u32 $0x80, v49  }
0xac: {  	[tilespmem:s15+$0x80] =	vst v10;
	v48 =	vld.idx.msk [tilespmem:v14+s21+$0x0], $0xffff;
	v6 =	vor.u32 $0x100, v49;
	v52 =	vshll.u32 v15, $0x2  }
0xad: {  	s5 =	sadd.s32 $0x1, s5;
	s24 =	sand.u32 $0x1E00, s3;
	[tilespmem:s15+$0x100] =	vst v44;
	v1 =	vld.idx.msk [tilespmem:v42+s21+$0x0], $0xffff;
	v53 =	vand.u32 $0x7F, v15;
	v12 =	vor.u32 $0x180, v49;
	v9 =	vand.u32 $0xFFFFFE00, v52  }
0xae: {  	s5 =	sand.u32 $0x3, s5;
	s0 =	sadd.s32 $0xA800, s24;
	[tilespmem:s15+$0x0] =	vst v11;
	v4 =	vld.idx.msk [tilespmem:v43+s21+$0x0], $0xffff;
	v54 =	vor.u32 v53, v9  }
0xaf: {  	s5 =	sshll.u32 s5, $0x5;
	s25 =	sor.u32 s11, s0;
	[tilespmem:s13+$0xA800] =	vst v51;
	v55 =	vor.u32 $0x80, v54;
	v2 =	vld.idx.msk [tilespmem:v49+s21+$0x0], $0xffff  }
0xb0: {  	s3 =	sadd.s32 s5, s3;
	[tilespmem:s25+$0x0] =	vst v46;
	v56 =	vor.u32 $0x100, v54;
	v0 =	vld.idx.msk [tilespmem:v50+s21+$0x0], $0xffff  }
0xb1: {  	s5 =	sadd.s32 $0x10, s3;
	v58 =	vor.u32 $0x180, v54;
	[tilespmem:s25+$0x80] =	vst v48;
	v57 =	vld.idx.msk [tilespmem:v6+s21+$0x0], $0xffff  }
0xb2: {  	s5 =	sor.u32 $0x180, s5;
	[tilespmem:s25+$0x100] =	vst v1;
	v59 =	vld.idx.msk [tilespmem:v12+s21+$0x0], $0xffff  }
0xb3: {  	s28 =	sor.u32 s9, s10;
	[tilespmem:s5+$0xA800] =	vst v4;
	v62 =	vld.idx.msk [tilespmem:v54+s21+$0x0], $0xffff  }
0xb4: {  	v60 =	vld.idx.msk [tilespmem:v55+s21+$0x0], $0xffff;
	[tilespmem:s28+$0x0] =	vst v2  }
0xb5: {  	v61 =	vld.idx.msk [tilespmem:v56+s21+$0x0], $0xffff;
	[tilespmem:s28+$0x80] =	vst v0  }
0xb6: {  	s4 =	sor.u32 $0x180, s31;
	v63 =	vld.idx.msk [tilespmem:v58+s21+$0x0], $0xffff;
	[tilespmem:s28+$0x100] =	vst v57  }
0xb7: {  	s0 =	sor.u32 s1, s0;
	[tilespmem:s4+$0xA800] =	vst v59  }
0xb8: {  	[tilespmem:s0+$0x0] =	vst v62  }
0xb9: {  	[tilespmem:s0+$0x80] =	vst v60  }
.Ltmp5:
0xba: {  	s29 =	sor.u32 $0x180, s3;
	[tilespmem:s0+$0x100] =	vst v61;
	(pc) =	sbr.rel @p1 .LBB2_12-.Ltmp5, $4  }
0xbb: {  	[tilespmem:s29+$0xA800] =	vst v63  }
0xbc: {  	s0 =	rddreg [dreg:$0xa]  }
0xbd: {  	s31 =	simm.s32 $0xA800;
	s0 =	sadd.s32 s8, s0  }
0xbe: {  	[hbm4b:s0+s18] =	stream.strided.scatter [tilespmem:s31], [sflag:$0x6], $0x2000, s19, s18, $0x38;
	[tilespmem:$0x10800] =	vst v63  }
.Ltmp6:
0xbf: {  	(pc) =	sbr.rel .LBB2_13-.Ltmp6, $4  }
0xc0: {  	_ = 	snop  }
0xc1: {  	_ =	swait.ge [sflag:s30], $0x2000  }
0xc2: {  	[sflag:s30] =	ssyncset.done $0x0  }
0xc3: {  	[sflag:s30] =	ssyncadd.s32 $0xFFFFE000  }
.LBB2_12:
0xc4: {  	s0 =	rddreg [dreg:$0xb]  }
.Ltmp7:
0xc5: {  	s0 =	sadd.s32 s17, s0;
	(pc) =	sbr.rel @p0 .LBB2_14-.Ltmp7, $4  }
0xc6: {  	[tilespmem:s21], [sflag:$0x2] =	stream.strided.gather [hbm4b:s0+s18], $0x2000, s19, s18, $0x38;
	[tilespmem:$0x10800] =	vst v63  }
0xc7: {  	_ =	swait.ge [sflag:s30], $0x2000  }
0xc8: {  	[sflag:s30] =	ssyncset.done $0x0  }
0xc9: {  	[sflag:s30] =	ssyncadd.s32 $0xFFFFE000  }
.LBB2_13:
0xca: {  	s0 =	simm.s32 $0x7  }
0xcb: {  	_ =	swait.ge [sflag:s0], $0x2000  }
0xcc: {  	[sflag:s0] =	ssyncset.done $0x0  }
0xcd: {  	[sflag:s0] =	ssyncadd.s32 $0xFFFFE000  }
.LBB2_14:
0xce: {  	s1 =	simm.s32 $0x0  }
0xcf: {  	s5 =	sand.u32 $0x60, s1  }
0xd0: {  	s0 =	sand.u32 $0x780, s1;
	s3 =	sor.u32 $0x10, s5  }
0xd1: {  	s0 =	sor.u32 s3, s0  }
0xd2: {  	v0 =	vld [tilespmem:s0+$0x0]  }
0xd3: {  	s15 =	simm.s32 $0x20  }
0xd4: {  	s4 =	sand.u32 $0x60, s15  }
0xd5: {  	s6 =	sor.u32 $0x10, s4;
	s0 =	sand.u32 $0x780, s15  }
0xd6: {  	s0 =	sor.u32 s6, s0  }
0xd7: {  	v2 =	vld [tilespmem:s0+$0x0];
	v1 =	vshll.u32 v0, $0x2  }
0xd8: {  	v0 =	vand.u32 $0x7F, v0;
	v1 =	vand.u32 $0xFFFFFE00, v1  }
0xd9: {  	v0 =	vor.u32 v0, v1;
	_ =	sdelay $0x1  }
0xda: {  	s24 =	simm.s32 $0x0;
	s10 =	simm.s32 $0x40;
	v1 =	vor.u32 $0x80, v0  }
0xdb: {  	v5 =	vld [tilespmem:s24+$0x0];
	s9 =	sand.u32 $0x60, s10;
	v4 =	vshll.u32 v2, $0x2;
	v3 =	vor.u32 $0x100, v0  }
0xdc: {  	s10 =	sand.u32 $0x780, s10;
	s0 =	sor.u32 $0x10, s9;
	v2 =	vand.u32 $0x7F, v2;
	v6 =	vor.u32 $0x180, v0;
	v4 =	vand.u32 $0xFFFFFE00, v4  }
0xdd: {  	s10 =	sor.u32 s0, s10;
	v7 =	vld.idx.msk [tilespmem:v0+s22+$0x0], $0xffff;
	v0 =	vor.u32 v2, v4  }
0xde: {  	v8 =	vld [tilespmem:s10+$0x0]  }
0xdf: {  	v2 =	vld.idx.msk [tilespmem:v1+s22+$0x0], $0xffff;
	v1 =	vor.u32 $0x80, v0  }
0xe0: {  	v10 =	vshll.u32 v5, $0x2;
	v4 =	vor.u32 $0x100, v0;
	v3 =	vld.idx.msk [tilespmem:v3+s22+$0x0], $0xffff  }
0xe1: {  	v5 =	vand.u32 $0x7F, v5;
	v10 =	vand.u32 $0xFFFFFE00, v10;
	v9 =	vor.u32 $0x180, v0;
	v6 =	vld.idx.msk [tilespmem:v6+s22+$0x0], $0xffff  }
0xe2: {  	s11 =	simm.s32 $0x20;
	v10 =	vor.u32 v5, v10;
	v11 =	vld.idx.msk [tilespmem:v0+s22+$0x0], $0xffff  }
0xe3: {  	s25 =	sand.u32 $0x1E00, s1;
	s1 =	sand.u32 $0x3, s1;
	v5 =	vand.u32 $0x7F, v8;
	v0 =	vshll.u32 v8, $0x2;
	v8 =	vld [tilespmem:s11+$0x0]  }
0xe4: {  	s12 =	simm.s32 $0x60;
	s1 =	sshll.u32 s1, $0x5;
	v12 =	vld.idx.msk [tilespmem:v1+s22+$0x0], $0xffff;
	v1 =	vor.u32 $0x80, v10  }
0xe5: {  	s13 =	sadd.s32 $0x0, s1;
	s1 =	sand.u32 $0x60, s12;
	v13 =	vld.idx.msk [tilespmem:v4+s22+$0x0], $0xffff;
	v4 =	vor.u32 $0x100, v10;
	v0 =	vand.u32 $0xFFFFFE00, v0  }
0xe6: {  	s12 =	sand.u32 $0x780, s12;
	s10 =	sadd.s32 $0xC800, s25;
	s11 =	sor.u32 $0x10, s1;
	v9 =	vld.idx.msk [tilespmem:v9+s22+$0x0], $0xffff;
	v5 =	vor.u32 v5, v0  }
0xe7: {  	s24 =	simm.s32 $0x1;
	s3 =	sor.u32 s3, s10;
	s12 =	sor.u32 s11, s12;
	v0 =	vld.idx.msk [tilespmem:v10+s22+$0x0], $0xffff;
	v14 =	vor.u32 $0x80, v5  }
0xe8: {  	s31 =	sand.u32 $0x3, s24;
	s15 =	simm.s32 $0x80;
	[tilespmem:s3+$0x0] =	vst v7;
	v15 =	vld [tilespmem:s12+$0x0];
	v7 =	vor.u32 $0x100, v5  }
0xe9: {  	s31 =	sshll.u32 s31, $0x5;
	s14 =	sadd.s32 $0x10, s13;
	s28 =	sand.u32 $0x1E00, s15;
	[tilespmem:s3+$0x80] =	vst v2;
	v16 =	vor.u32 $0x180, v5;
	v1 =	vld.idx.msk [tilespmem:v1+s22+$0x0], $0xffff  }
0xea: {  	s24 =	sor.u32 $0x180, s14;
	s15 =	sadd.s32 $0x80, s31;
	s28 =	sadd.s32 $0xC800, s28;
	[tilespmem:s3+$0x100] =	vst v3;
	v3 =	vshll.u32 v8, $0x2;
	v2 =	vld.idx.msk [tilespmem:v4+s22+$0x0], $0xffff  }
0xeb: {  	s14 =	sor.u32 s6, s28;
	s6 =	simm.s32 $0x6;
	s25 =	sor.u32 $0x180, s13;
	[tilespmem:s24+$0xC800] =	vst v6;
	v6 =	vand.u32 $0x7F, v8;
	v8 =	vand.u32 $0xFFFFFE00, v3;
	v3 =	vor.u32 $0x180, v10;
	v4 =	vld.idx.msk [tilespmem:v5+s22+$0x0], $0xffff  }
0xec: {  	s13 =	sor.u32 $0x180, s15;
	s29 =	sor.u32 s5, s10;
	s5 =	simm.s32 $0x2;
	[tilespmem:s14+$0x0] =	vst v11;
	v11 =	vor.u32 v6, v8;
	v5 =	vld.idx.msk [tilespmem:v14+s22+$0x0], $0xffff  }
0xed: {  	s24 =	sadd.s32 $0x10, s15;
	s15 =	sor.u32 s4, s28;
	s4 =	simm.s32 $0x100;
	[tilespmem:s14+$0x80] =	vst v12;
	v6 =	vld.idx.msk [tilespmem:v7+s22+$0x0], $0xffff;
	v10 =	vor.u32 $0x80, v11  }
0xee: {  	s28 =	simm.s32 $0x40;
	s10 =	sor.u32 $0x180, s24;
	s31 =	sand.u32 $0x1E00, s4;
	[tilespmem:s14+$0x100] =	vst v13;
	v12 =	vshll.u32 v15, $0x2;
	v13 =	vand.u32 $0x7F, v15;
	v8 =	vld.idx.msk [tilespmem:v16+s22+$0x0], $0xffff  }
0xef: {  	s12 =	simm.s32 $0x80;
	s14 =	sand.u32 $0x3, s5;
	[tilespmem:s10+$0xC800] =	vst v9;
	s10 =	sadd.s32 $0xC800, s31;
	v7 =	vor.u32 $0x100, v11;
	v9 =	vor.u32 $0x180, v11;
	v14 =	vand.u32 $0xFFFFFE00, v12;
	v12 =	vld [tilespmem:s28+$0x0]  }
.LBB2_15:
0xf0: {  	s3 =	sand.u32 $0x60, s12;
	v13 =	vor.u32 v13, v14;
	s14 =	sshll.u32 s14, $0x5;
	s0 =	sor.u32 s0, s10;
	v14 =	vld.idx.msk [tilespmem:v3+s22+$0x0], $0xffff;
	[tilespmem:s29+$0x80] =	vst v1;
	v15 =	vmov v2;
	v3 =	vmov v9  }
0xf1: {  	s28 =	sand.u32 $0x780, s12;
	s24 =	sor.u32 $0x10, s3;
	v9 =	vor.u32 $0x80, v13;
	s14 =	sadd.s32 s14, s4;
	[tilespmem:s0+$0x0] =	vst v4;
	v16 =	vld.idx.msk [tilespmem:v11+s22+$0x0], $0xffff  }
0xf2: {  	s6 =	sadd.s32 $0x2, s6;
	v17 =	vor.u32 $0x100, v13;
	s28 =	sor.u32 s24, s28;
	[tilespmem:s0+$0x80] =	vst v5;
	s31 =	sadd.s32 $0x10, s14;
	v1 =	vld.idx.msk [tilespmem:v10+s22+$0x0], $0xffff  }
0xf3: {  	p2 =	slt.u32 s6, $0x7E;
	v19 =	vor.u32 $0x180, v13;
	s14 =	sor.u32 $0x180, s14;
	v18 =	vld [tilespmem:s28+$0x0];
	[tilespmem:s0+$0x100] =	vst v6;
	s0 =	sor.u32 $0x180, s31  }
0xf4: {  	s10 =	sor.u32 s9, s10;
	s9 =	smov.u32 s1;
	s1 =	smov.u32 s3;
	v6 =	vand.u32 $0x7F, v12;
	v5 =	vshll.u32 v12, $0x2;
	[tilespmem:s0+$0xC800] =	vst v8;
	v2 =	vld.idx.msk [tilespmem:v7+s22+$0x0], $0xffff  }
.Ltmp8:
0xf5: {  	s0 =	smov.u32 s11;
	s11 =	smov.u32 s24;
	v4 =	vld.idx.msk [tilespmem:v13+s22+$0x0], $0xffff;
	v7 =	vand.u32 $0xFFFFFE00, v5;
	[tilespmem:s29+$0x100] =	vst v15;
	(pc) =	sbr.rel @p2 .LBB2_15-.Ltmp8, $4  }
0xf6: {  	v5 =	vld.idx.msk [tilespmem:v9+s22+$0x0], $0xffff;
	v11 =	vor.u32 v6, v7;
	[tilespmem:s29+$0x0] =	vst v0;
	s29 =	smov.u32 s15;
	s15 =	smov.u32 s10  }
0xf7: {  	s4 =	sadd.s32 $0x80, s4;
	v0 =	vmovc v16;
	v6 =	vld.idx.msk [tilespmem:v17+s22+$0x0], $0xffff;
	v10 =	vor.u32 $0x80, v11;
	v7 =	vor.u32 $0x100, v11;
	v9 =	vor.u32 $0x180, v11;
	[tilespmem:s25+$0xC800] =	vst v14;
	s25 =	smov.u32 s13;
	s13 =	smov.u32 s14  }
0xf8: {  	s5 =	sadd.s32 $0x1, s5;
	s3 =	sshra.s32 s4, $0x2;
	s10 =	sand.u32 $0x1E00, s4;
	v12 =	vshll.u32 v18, $0x2;
	v8 =	vld.idx.msk [tilespmem:v19+s22+$0x0], $0xffff  }
0xf9: {  	s12 =	sadd.s32 $0x20, s12;
	s14 =	sand.u32 $0x3, s5;
	s10 =	sadd.s32 $0xC800, s10;
	v13 =	vand.u32 $0x7F, v18;
	v14 =	vand.u32 $0xFFFFFE00, v12;
	v12 =	vld [tilespmem:s3+$0x0]  }
0xfa: {  	_ =	sdelay $0x3  }
0xfb: {  	v3 =	vld.idx.msk [tilespmem:v3+s22+$0x0], $0xffff;
	[tilespmem:s29+$0x80] =	vst v1  }
0xfc: {  	s3 =	sadd.s32 $0x80, s4;
	[tilespmem:s29+$0x100] =	vst v2  }
0xfd: {  	v13 =	vor.u32 v13, v14;
	s6 =	sshll.u32 s14, $0x5;
	s0 =	sor.u32 s0, s10;
	v10 =	vld.idx.msk [tilespmem:v10+s22+$0x0], $0xffff;
	[tilespmem:s29+$0x0] =	vst v0;
	s12 =	sshra.s32 s3, $0x2  }
0xfe: {  	v14 =	vor.u32 $0x80, v13;
	s31 =	sadd.s32 s6, s4;
	[tilespmem:s0+$0x0] =	vst v4;
	v15 =	vld [tilespmem:s12+$0x0]  }
0xff: {  	v44 =	vld.idx.msk [tilespmem:v7+s22+$0x0], $0xffff;
	v42 =	vor.u32 $0x100, v13;
	[tilespmem:s0+$0x80] =	vst v5;
	s6 =	sadd.s32 $0x10, s31;
	v45 =	vshll.u32 v12, $0x2  }
0x100: {  	v11 =	vld.idx.msk [tilespmem:v11+s22+$0x0], $0xffff;
	v43 =	vor.u32 $0x180, v13;
	[tilespmem:s0+$0x100] =	vst v6;
	s14 =	sor.u32 $0x180, s6;
	v47 =	vand.u32 $0x7F, v12;
	v6 =	vand.u32 $0xFFFFFE00, v45  }
0x101: {  	v51 =	vld.idx.msk [tilespmem:v9+s22+$0x0], $0xffff;
	[tilespmem:s14+$0xC800] =	vst v8;
	v49 =	vor.u32 v47, v6  }
0x102: {  	v46 =	vld.idx.msk [tilespmem:v13+s22+$0x0], $0xffff;
	[tilespmem:s25+$0xC800] =	vst v3;
	v50 =	vor.u32 $0x80, v49  }
0x103: {  	[tilespmem:s15+$0x80] =	vst v10;
	v48 =	vld.idx.msk [tilespmem:v14+s22+$0x0], $0xffff;
	v6 =	vor.u32 $0x100, v49;
	v52 =	vshll.u32 v15, $0x2  }
0x104: {  	s5 =	sadd.s32 $0x1, s5;
	s24 =	sand.u32 $0x1E00, s3;
	[tilespmem:s15+$0x100] =	vst v44;
	v1 =	vld.idx.msk [tilespmem:v42+s22+$0x0], $0xffff;
	v53 =	vand.u32 $0x7F, v15;
	v12 =	vor.u32 $0x180, v49;
	v9 =	vand.u32 $0xFFFFFE00, v52  }
0x105: {  	s5 =	sand.u32 $0x3, s5;
	s0 =	sadd.s32 $0xC800, s24;
	[tilespmem:s15+$0x0] =	vst v11;
	v4 =	vld.idx.msk [tilespmem:v43+s22+$0x0], $0xffff;
	v54 =	vor.u32 v53, v9  }
0x106: {  	s5 =	sshll.u32 s5, $0x5;
	s25 =	sor.u32 s11, s0;
	[tilespmem:s13+$0xC800] =	vst v51;
	v55 =	vor.u32 $0x80, v54;
	v2 =	vld.idx.msk [tilespmem:v49+s22+$0x0], $0xffff  }
0x107: {  	s3 =	sadd.s32 s5, s3;
	[tilespmem:s25+$0x0] =	vst v46;
	v56 =	vor.u32 $0x100, v54;
	v0 =	vld.idx.msk [tilespmem:v50+s22+$0x0], $0xffff  }
0x108: {  	s5 =	sadd.s32 $0x10, s3;
	v58 =	vor.u32 $0x180, v54;
	[tilespmem:s25+$0x80] =	vst v48;
	v57 =	vld.idx.msk [tilespmem:v6+s22+$0x0], $0xffff  }
0x109: {  	s5 =	sor.u32 $0x180, s5;
	[tilespmem:s25+$0x100] =	vst v1;
	v59 =	vld.idx.msk [tilespmem:v12+s22+$0x0], $0xffff  }
0x10a: {  	s28 =	sor.u32 s9, s10;
	[tilespmem:s5+$0xC800] =	vst v4;
	v62 =	vld.idx.msk [tilespmem:v54+s22+$0x0], $0xffff  }
0x10b: {  	v60 =	vld.idx.msk [tilespmem:v55+s22+$0x0], $0xffff;
	[tilespmem:s28+$0x0] =	vst v2  }
0x10c: {  	v61 =	vld.idx.msk [tilespmem:v56+s22+$0x0], $0xffff;
	[tilespmem:s28+$0x80] =	vst v0  }
0x10d: {  	s4 =	sor.u32 $0x180, s31;
	v63 =	vld.idx.msk [tilespmem:v58+s22+$0x0], $0xffff;
	[tilespmem:s28+$0x100] =	vst v57  }
0x10e: {  	s0 =	sor.u32 s1, s0;
	[tilespmem:s4+$0xC800] =	vst v59  }
0x10f: {  	[tilespmem:s0+$0x0] =	vst v62  }
0x110: {  	[tilespmem:s0+$0x80] =	vst v60  }
.Ltmp9:
0x111: {  	s29 =	sor.u32 $0x180, s3;
	[tilespmem:s0+$0x100] =	vst v61;
	(pc) =	sbr.rel @p1 .LBB2_18-.Ltmp9, $4  }
0x112: {  	[tilespmem:s29+$0xC800] =	vst v63  }
0x113: {  	s0 =	rddreg [dreg:$0xc]  }
0x114: {  	s31 =	simm.s32 $0xC800;
	s0 =	sadd.s32 s8, s0  }
0x115: {  	[hbm4b:s0+s18] =	stream.strided.scatter [tilespmem:s31], [sflag:$0x7], $0x2000, s19, s18, $0x38;
	[tilespmem:$0x10800] =	vst v63  }
.Ltmp10:
0x116: {  	(pc) =	sbr.rel .LBB2_19-.Ltmp10, $4  }
0x117: {  	_ = 	snop  }
0x118: {  	_ =	swait.ge [sflag:s2], $0x2000  }
0x119: {  	[sflag:s2] =	ssyncset.done $0x0  }
0x11a: {  	[sflag:s2] =	ssyncadd.s32 $0xFFFFE000  }
.LBB2_18:
0x11b: {  	s0 =	rddreg [dreg:$0xd]  }
.Ltmp11:
0x11c: {  	s0 =	sadd.s32 s17, s0;
	(pc) =	sbr.rel @p0 .LBB2_20-.Ltmp11, $4  }
0x11d: {  	[tilespmem:s22], [sflag:$0x3] =	stream.strided.gather [hbm4b:s0+s18], $0x2000, s19, s18, $0x38;
	[tilespmem:$0x10800] =	vst v63  }
0x11e: {  	_ =	swait.ge [sflag:s2], $0x2000  }
0x11f: {  	[sflag:s2] =	ssyncset.done $0x0  }
0x120: {  	[sflag:s2] =	ssyncadd.s32 $0xFFFFE000  }
.LBB2_19:
0x121: {  	s0 =	simm.s32 $0x8  }
0x122: {  	_ =	swait.ge [sflag:s0], $0x2000  }
0x123: {  	[sflag:s0] =	ssyncset.done $0x0  }
0x124: {  	[sflag:s0] =	ssyncadd.s32 $0xFFFFE000  }
.LBB2_20:
0x125: {  	s1 =	simm.s32 $0x0  }
0x126: {  	s5 =	sand.u32 $0x60, s1  }
0x127: {  	s0 =	sand.u32 $0x780, s1;
	s3 =	sor.u32 $0x10, s5  }
0x128: {  	s0 =	sor.u32 s3, s0  }
0x129: {  	v0 =	vld [tilespmem:s0+$0x0]  }
0x12a: {  	s17 =	simm.s32 $0x20  }
0x12b: {  	s4 =	sand.u32 $0x60, s17  }
0x12c: {  	s6 =	sor.u32 $0x10, s4;
	s0 =	sand.u32 $0x780, s17  }
0x12d: {  	s0 =	sor.u32 s6, s0  }
0x12e: {  	v2 =	vld [tilespmem:s0+$0x0];
	v1 =	vshll.u32 v0, $0x2  }
0x12f: {  	v0 =	vand.u32 $0x7F, v0;
	v1 =	vand.u32 $0xFFFFFE00, v1  }
0x130: {  	v0 =	vor.u32 v0, v1;
	_ =	sdelay $0x1  }
0x131: {  	s24 =	simm.s32 $0x0;
	s9 =	simm.s32 $0x40;
	s11 =	simm.s32 $0x60;
	v1 =	vor.u32 $0x80, v0  }
0x132: {  	s8 =	sand.u32 $0x60, s9;
	s25 =	sand.u32 $0x1E00, s1;
	s1 =	sand.u32 $0x3, s1;
	v4 =	vshll.u32 v2, $0x2  }
0x133: {  	v5 =	vld [tilespmem:s24+$0x0];
	s9 =	sand.u32 $0x780, s9;
	s1 =	sshll.u32 s1, $0x5;
	s0 =	sor.u32 $0x10, s8;
	v2 =	vand.u32 $0x7F, v2;
	v3 =	vor.u32 $0x100, v0;
	v4 =	vand.u32 $0xFFFFFE00, v4  }
0x134: {  	s12 =	sadd.s32 $0x0, s1;
	s1 =	sand.u32 $0x60, s11;
	s9 =	sor.u32 s0, s9;
	v6 =	vor.u32 $0x180, v0;
	v7 =	vld.idx.msk [tilespmem:v0+s23+$0x0], $0xffff;
	v0 =	vor.u32 v2, v4  }
0x135: {  	s11 =	sand.u32 $0x780, s11;
	v8 =	vld [tilespmem:s9+$0x0];
	s9 =	sor.u32 $0x10, s1  }
0x136: {  	s11 =	sor.u32 s9, s11;
	v2 =	vld.idx.msk [tilespmem:v1+s23+$0x0], $0xffff;
	v1 =	vor.u32 $0x80, v0  }
0x137: {  	v15 =	vld [tilespmem:s11+$0x0];
	v4 =	vor.u32 $0x100, v0  }
0x138: {  	v10 =	vshll.u32 v5, $0x2;
	v3 =	vld.idx.msk [tilespmem:v3+s23+$0x0], $0xffff  }
0x139: {  	s28 =	simm.s32 $0x20;
	v5 =	vand.u32 $0x7F, v5;
	v10 =	vand.u32 $0xFFFFFE00, v10;
	v9 =	vor.u32 $0x180, v0;
	v11 =	vld.idx.msk [tilespmem:v0+s23+$0x0], $0xffff  }
0x13a: {  	v10 =	vor.u32 v5, v10;
	v5 =	vand.u32 $0x7F, v8;
	v0 =	vshll.u32 v8, $0x2;
	v8 =	vld [tilespmem:s28+$0x0]  }
0x13b: {  	v12 =	vld.idx.msk [tilespmem:v1+s23+$0x0], $0xffff;
	v1 =	vor.u32 $0x80, v10  }
0x13c: {  	v13 =	vld.idx.msk [tilespmem:v4+s23+$0x0], $0xffff;
	v4 =	vor.u32 $0x100, v10;
	v0 =	vand.u32 $0xFFFFFE00, v0  }
0x13d: {  	s10 =	sadd.s32 $0xE800, s25;
	v6 =	vld.idx.msk [tilespmem:v6+s23+$0x0], $0xffff;
	v5 =	vor.u32 v5, v0  }
0x13e: {  	s14 =	simm.s32 $0x80;
	s3 =	sor.u32 s3, s10;
	v9 =	vld.idx.msk [tilespmem:v9+s23+$0x0], $0xffff;
	v14 =	vor.u32 $0x80, v5  }
0x13f: {  	s29 =	sand.u32 $0x1E00, s14;
	s13 =	sadd.s32 $0x10, s12;
	[tilespmem:s3+$0x0] =	vst v7;
	v0 =	vld.idx.msk [tilespmem:v10+s23+$0x0], $0xffff;
	v7 =	vor.u32 $0x100, v5  }
0x140: {  	s17 =	simm.s32 $0x1;
	s15 =	sor.u32 $0x180, s12;
	s12 =	sadd.s32 $0xE800, s29;
	[tilespmem:s3+$0x80] =	vst v2;
	v16 =	vor.u32 $0x180, v5;
	v1 =	vld.idx.msk [tilespmem:v1+s23+$0x0], $0xffff  }
0x141: {  	s31 =	sand.u32 $0x3, s17;
	s13 =	sor.u32 $0x180, s13;
	s17 =	sor.u32 s5, s10;
	[tilespmem:s3+$0x100] =	vst v3;
	v3 =	vshll.u32 v8, $0x2;
	v2 =	vld.idx.msk [tilespmem:v4+s23+$0x0], $0xffff  }
0x142: {  	s25 =	sor.u32 s6, s12;
	s6 =	simm.s32 $0x6;
	s24 =	sshll.u32 s31, $0x5;
	[tilespmem:s13+$0xE800] =	vst v6;
	v6 =	vand.u32 $0x7F, v8;
	v8 =	vand.u32 $0xFFFFFE00, v3;
	v3 =	vor.u32 $0x180, v10;
	v4 =	vld.idx.msk [tilespmem:v5+s23+$0x0], $0xffff  }
0x143: {  	s5 =	simm.s32 $0x2;
	s31 =	simm.s32 $0x40;
	s28 =	sadd.s32 $0x80, s24;
	[tilespmem:s25+$0x0] =	vst v11;
	v11 =	vor.u32 v6, v8;
	v5 =	vld.idx.msk [tilespmem:v14+s23+$0x0], $0xffff  }
0x144: {  	s29 =	sadd.s32 $0x10, s28;
	s13 =	sor.u32 s4, s12;
	s4 =	simm.s32 $0x100;
	[tilespmem:s25+$0x80] =	vst v12;
	v6 =	vld.idx.msk [tilespmem:v7+s23+$0x0], $0xffff;
	v10 =	vor.u32 $0x80, v11  }
0x145: {  	s14 =	sand.u32 $0x3, s5;
	s10 =	sor.u32 $0x180, s29;
	s24 =	sand.u32 $0x1E00, s4;
	[tilespmem:s25+$0x100] =	vst v13;
	v12 =	vshll.u32 v15, $0x2;
	v13 =	vand.u32 $0x7F, v15;
	v8 =	vld.idx.msk [tilespmem:v16+s23+$0x0], $0xffff  }
0x146: {  	s11 =	sor.u32 $0x180, s28;
	s12 =	simm.s32 $0x80;
	[tilespmem:s10+$0xE800] =	vst v9;
	s10 =	sadd.s32 $0xE800, s24;
	v7 =	vor.u32 $0x100, v11;
	v9 =	vor.u32 $0x180, v11;
	v14 =	vand.u32 $0xFFFFFE00, v12;
	v12 =	vld [tilespmem:s31+$0x0]  }
.LBB2_21:
0x147: {  	s3 =	sand.u32 $0x60, s12;
	v13 =	vor.u32 v13, v14;
	s14 =	sshll.u32 s14, $0x5;
	s0 =	sor.u32 s0, s10;
	v14 =	vld.idx.msk [tilespmem:v3+s23+$0x0], $0xffff;
	[tilespmem:s17+$0x80] =	vst v1;
	v15 =	vmov v2;
	v3 =	vmov v9  }
0x148: {  	s25 =	sand.u32 $0x780, s12;
	s24 =	sor.u32 $0x10, s3;
	v9 =	vor.u32 $0x80, v13;
	s14 =	sadd.s32 s14, s4;
	[tilespmem:s0+$0x0] =	vst v4;
	v16 =	vld.idx.msk [tilespmem:v11+s23+$0x0], $0xffff  }
0x149: {  	s6 =	sadd.s32 $0x2, s6;
	v17 =	vor.u32 $0x100, v13;
	s25 =	sor.u32 s24, s25;
	[tilespmem:s0+$0x80] =	vst v5;
	s28 =	sadd.s32 $0x10, s14;
	v1 =	vld.idx.msk [tilespmem:v10+s23+$0x0], $0xffff  }
0x14a: {  	p0 =	slt.u32 s6, $0x7E;
	v19 =	vor.u32 $0x180, v13;
	s14 =	sor.u32 $0x180, s14;
	v18 =	vld [tilespmem:s25+$0x0];
	[tilespmem:s0+$0x100] =	vst v6;
	s0 =	sor.u32 $0x180, s28  }
0x14b: {  	s10 =	sor.u32 s8, s10;
	s8 =	smov.u32 s1;
	s1 =	smov.u32 s3;
	v6 =	vand.u32 $0x7F, v12;
	v5 =	vshll.u32 v12, $0x2;
	[tilespmem:s0+$0xE800] =	vst v8;
	v2 =	vld.idx.msk [tilespmem:v7+s23+$0x0], $0xffff  }
.Ltmp12:
0x14c: {  	s0 =	smov.u32 s9;
	s9 =	smov.u32 s24;
	v4 =	vld.idx.msk [tilespmem:v13+s23+$0x0], $0xffff;
	v7 =	vand.u32 $0xFFFFFE00, v5;
	[tilespmem:s17+$0x100] =	vst v15;
	(pc) =	sbr.rel @p0 .LBB2_21-.Ltmp12, $4  }
0x14d: {  	v5 =	vld.idx.msk [tilespmem:v9+s23+$0x0], $0xffff;
	v11 =	vor.u32 v6, v7;
	[tilespmem:s17+$0x0] =	vst v0;
	s17 =	smov.u32 s13;
	s13 =	smov.u32 s10  }
0x14e: {  	s4 =	sadd.s32 $0x80, s4;
	v0 =	vmovc v16;
	v6 =	vld.idx.msk [tilespmem:v17+s23+$0x0], $0xffff;
	v10 =	vor.u32 $0x80, v11;
	v7 =	vor.u32 $0x100, v11;
	v9 =	vor.u32 $0x180, v11;
	[tilespmem:s15+$0xE800] =	vst v14;
	s15 =	smov.u32 s11;
	s11 =	smov.u32 s14  }
0x14f: {  	s5 =	sadd.s32 $0x1, s5;
	s3 =	sshra.s32 s4, $0x2;
	s10 =	sand.u32 $0x1E00, s4;
	v12 =	vshll.u32 v18, $0x2;
	v8 =	vld.idx.msk [tilespmem:v19+s23+$0x0], $0xffff  }
0x150: {  	s12 =	sadd.s32 $0x20, s12;
	s14 =	sand.u32 $0x3, s5;
	s10 =	sadd.s32 $0xE800, s10;
	v13 =	vand.u32 $0x7F, v18;
	v14 =	vand.u32 $0xFFFFFE00, v12;
	v12 =	vld [tilespmem:s3+$0x0]  }
0x151: {  	_ =	sdelay $0x3  }
0x152: {  	v3 =	vld.idx.msk [tilespmem:v3+s23+$0x0], $0xffff;
	[tilespmem:s17+$0x80] =	vst v1  }
0x153: {  	s3 =	sadd.s32 $0x80, s4;
	[tilespmem:s17+$0x100] =	vst v2  }
0x154: {  	v13 =	vor.u32 v13, v14;
	s6 =	sshll.u32 s14, $0x5;
	s0 =	sor.u32 s0, s10;
	v10 =	vld.idx.msk [tilespmem:v10+s23+$0x0], $0xffff;
	[tilespmem:s17+$0x0] =	vst v0;
	s12 =	sshra.s32 s3, $0x2  }
0x155: {  	v14 =	vor.u32 $0x80, v13;
	s31 =	sadd.s32 s6, s4;
	[tilespmem:s0+$0x0] =	vst v4;
	v15 =	vld [tilespmem:s12+$0x0]  }
0x156: {  	v44 =	vld.idx.msk [tilespmem:v7+s23+$0x0], $0xffff;
	v42 =	vor.u32 $0x100, v13;
	[tilespmem:s0+$0x80] =	vst v5;
	s6 =	sadd.s32 $0x10, s31;
	v45 =	vshll.u32 v12, $0x2  }
0x157: {  	v11 =	vld.idx.msk [tilespmem:v11+s23+$0x0], $0xffff;
	v43 =	vor.u32 $0x180, v13;
	[tilespmem:s0+$0x100] =	vst v6;
	s14 =	sor.u32 $0x180, s6;
	v47 =	vand.u32 $0x7F, v12;
	v6 =	vand.u32 $0xFFFFFE00, v45  }
0x158: {  	v51 =	vld.idx.msk [tilespmem:v9+s23+$0x0], $0xffff;
	[tilespmem:s14+$0xE800] =	vst v8;
	v49 =	vor.u32 v47, v6  }
0x159: {  	v46 =	vld.idx.msk [tilespmem:v13+s23+$0x0], $0xffff;
	[tilespmem:s15+$0xE800] =	vst v3;
	v50 =	vor.u32 $0x80, v49  }
0x15a: {  	[tilespmem:s13+$0x80] =	vst v10;
	v48 =	vld.idx.msk [tilespmem:v14+s23+$0x0], $0xffff;
	v6 =	vor.u32 $0x100, v49;
	v52 =	vshll.u32 v15, $0x2  }
0x15b: {  	s5 =	sadd.s32 $0x1, s5;
	s17 =	sand.u32 $0x1E00, s3;
	[tilespmem:s13+$0x100] =	vst v44;
	v1 =	vld.idx.msk [tilespmem:v42+s23+$0x0], $0xffff;
	v53 =	vand.u32 $0x7F, v15;
	v12 =	vor.u32 $0x180, v49;
	v9 =	vand.u32 $0xFFFFFE00, v52  }
0x15c: {  	s5 =	sand.u32 $0x3, s5;
	s0 =	sadd.s32 $0xE800, s17;
	[tilespmem:s13+$0x0] =	vst v11;
	v4 =	vld.idx.msk [tilespmem:v43+s23+$0x0], $0xffff;
	v54 =	vor.u32 v53, v9  }
0x15d: {  	s5 =	sshll.u32 s5, $0x5;
	s24 =	sor.u32 s9, s0;
	[tilespmem:s11+$0xE800] =	vst v51;
	v55 =	vor.u32 $0x80, v54;
	v2 =	vld.idx.msk [tilespmem:v49+s23+$0x0], $0xffff  }
0x15e: {  	s3 =	sadd.s32 s5, s3;
	[tilespmem:s24+$0x0] =	vst v46;
	v56 =	vor.u32 $0x100, v54;
	v0 =	vld.idx.msk [tilespmem:v50+s23+$0x0], $0xffff  }
0x15f: {  	s5 =	sadd.s32 $0x10, s3;
	v58 =	vor.u32 $0x180, v54;
	[tilespmem:s24+$0x80] =	vst v48;
	v57 =	vld.idx.msk [tilespmem:v6+s23+$0x0], $0xffff  }
0x160: {  	s5 =	sor.u32 $0x180, s5;
	[tilespmem:s24+$0x100] =	vst v1;
	v59 =	vld.idx.msk [tilespmem:v12+s23+$0x0], $0xffff  }
0x161: {  	s25 =	sor.u32 s8, s10;
	[tilespmem:s5+$0xE800] =	vst v4;
	v62 =	vld.idx.msk [tilespmem:v54+s23+$0x0], $0xffff  }
0x162: {  	v60 =	vld.idx.msk [tilespmem:v55+s23+$0x0], $0xffff;
	[tilespmem:s25+$0x0] =	vst v2  }
0x163: {  	v61 =	vld.idx.msk [tilespmem:v56+s23+$0x0], $0xffff;
	[tilespmem:s25+$0x80] =	vst v0  }
0x164: {  	s16 =	sadd.s32 $0x1, s16;
	s4 =	sor.u32 $0x180, s31;
	v63 =	vld.idx.msk [tilespmem:v58+s23+$0x0], $0xffff;
	[tilespmem:s25+$0x100] =	vst v57  }
0x165: {  	p0 =	sne.s32 s16, $0x20;
	s0 =	sor.u32 s1, s0;
	[tilespmem:s4+$0xE800] =	vst v59  }
.Ltmp13:
0x166: {  	[tilespmem:s0+$0x0] =	vst v62;
	(pc) =	sbr.rel @p0 .LBB2_2-.Ltmp13, $4  }
0x167: {  	[tilespmem:s0+$0x80] =	vst v60  }
0x168: {  	s29 =	rddreg [dreg:$0x2];
	s28 =	sor.u32 $0x180, s3;
	[tilespmem:s0+$0x100] =	vst v61  }
0x169: {  	s31 =	simm.s32 $0xE800;
	s0 =	sadd.s32 s29, s7;
	[tilespmem:s28+$0xE800] =	vst v63  }
0x16a: {  	[hbm4b:s0+s18] =	stream.strided.scatter [tilespmem:s31], [sflag:$0x8], $0x2000, s19, s18, $0x38;
	[tilespmem:$0x10800] =	vst v63  }
0x16b: {  	s0 =	simm.s32 $0x5  }
0x16c: {  	_ =	swait.ge [sflag:s0], $0x2000  }
0x16d: {  	[sflag:s0] =	ssyncset.done $0x0  }
0x16e: {  	s28 =	simm.s32 $0x6;
	[sflag:s0] =	ssyncadd.s32 $0xFFFFE000  }
0x16f: {  	_ =	swait.ge [sflag:s28], $0x2000  }
0x170: {  	[sflag:s28] =	ssyncset.done $0x0  }
0x171: {  	s29 =	simm.s32 $0x7;
	[sflag:s28] =	ssyncadd.s32 $0xFFFFE000  }
0x172: {  	_ =	swait.ge [sflag:s29], $0x2000  }
0x173: {  	[sflag:s29] =	ssyncset.done $0x0  }
0x174: {  	s1 =	simm.s32 $0x8;
	[sflag:s29] =	ssyncadd.s32 $0xFFFFE000  }
0x175: {  	_ =	swait.ge [sflag:s1], $0x2000  }
0x176: {  	s3 =	rddreg [dreg:$0xf]  }
0x177: {  	s31 =	rddreg [dreg:$0xe];
	s3 =	sadd.s32 $0x1, s3  }
0x178: {  	p0 =	sne.s32 s3, s31  }
.Ltmp14:
0x179: {  	_ = 	snop;
	(pc) =	sbr.rel @p0 .LBB2_1-.Ltmp14, $3  }
0x17a: {  	_ =	sdelay $0x1  }
0x17b: {  	[sflag:s1] =	ssyncset.done $0x0  }
0x17c: {  	[sflag:s1] =	ssyncadd.s32 $0xFFFFE000  }
0x17d: {  	_ =	sfence.sel $0x180000  }
0x17e: {  	[bflag:$0x0] =	sbarrier.arrive $0xFFFF  }
0x17f: {  	_ =	strace $0x90000047  }
0x180: {  	s0 =	stileid.u32;
	[bflag:$0x2] =	sbarrier.arrive $0xFFFF  }
0x181: {  	p0 =	sne.s32 s0, $0x0;
	s0 =	rddreg [dreg:$0x3]  }
0x182: {  	s0 =	sadd.s32 @!p0 $0x100000, s0  }
0x183: {  	[sflag:s0] =	ssyncadd.tile.s32 @!p0 $0x1;
	_ =	shalt  }
.Lfunc_end2:
_tile_overlayer_lowered:
.L_overlay_start_2:
0x184: {  	(tag) =	ssettag $0x2  }
0x185: {  	s0 =	rddreg [dreg:$0x0];
	s2 =	stileid.u32  }
0x186: {  	s1 =	rddreg [dreg:$0x1];
	p0 =	sne.s32 s2, $0x0  }
0x187: {  	s3 =	rddreg [dreg:$0x2];
	[bflag:$0x3] =	sbarrier.arrive $0xFFFF;
	s2 =	simm.s32 @!p0 $0x1C09  }
0x188: {  	[timem:s3], [sflag:s2] =	dma.local @!p0 [hbm:s0], s1  }
0x189: {  	s0 =	simm.s32 @!p0 $0x9  }
0x18a: {  	_ =	swait.ge @!p0 [sflag:s0], s1  }
0x18b: {  	s1 =	ssub.s32 @!p0 $0x0, s1;
	[sflag:s0] =	ssyncset.done @!p0 $0x0  }
0x18c: {  	[sflag:s0] =	ssyncadd.s32 @!p0 s1  }
0x18d: {  	[bflag:$0x3] =	sbarrier.arrive $0xFFFF  }
0x18e: {  	_ =	shalt  }

</sc_bundles>
